<compile_context>
chip_gen: v7x
topology: tpu7x:2x2x1
jax: 0.10.2.dev20260603
libtpu: 0.0.44.dev20260713+nightly
codegen_flags: <defaults>
</compile_context>

<pallas_src>
import jax
import jax.numpy as jnp
from jax import lax
from jax.experimental import pallas as pl
from jax.experimental.pallas import tpu as pltpu
from jax.experimental.pallas import tpu_sc as plsc

_N = 50000
_D = 256
_G = 64
_L = 16
_NV = _D // _L
_C = 144
_NEG = float("-inf")


def _lane_extract(vec, lane):
    lid = lax.broadcasted_iota(jnp.int32, (_L,), 0)
    return jnp.max(jnp.where(lid == lane, vec, 0))


def _sc_body(x_hbm, batch_hbm, out_hbm, batch_v, bsh, buf0, buf1, accv,
             sem0, sem1):
    sid = lax.axis_index("s")
    wid = sid * 2 + lax.axis_index("c")

    @pl.when(sid == 0)
    def _stage():
        pltpu.sync_copy(batch_hbm, bsh)

    plsc.subcore_barrier()
    pltpu.sync_copy(bsh, batch_v)
    lid = lax.broadcasted_iota(jnp.int32, (_L,), 0)
    tgt = 2 * wid + lid
    lo = jnp.zeros((_L,), jnp.int32)
    hi = jnp.full((_L,), _N, jnp.int32)

    def bs_step(_, carry):
        lo, hi = carry
        active = lo < hi
        mid = lax.shift_right_logical(lo + hi, 1)
        v = plsc.load_gather(batch_v, [jnp.minimum(mid, _N - 1)])
        less = v < tgt
        lo = jnp.where(active & less, mid + 1, lo)
        hi = jnp.where(active & (~less), mid, hi)
        return lo, hi

    lo, _ = lax.fori_loop(0, 16, bs_step, (lo, hi))
    s0 = _lane_extract(lo, 0)
    sm = _lane_extract(lo, 1)
    s1 = _lane_extract(lo, 2)

    a0 = jnp.bitwise_and(s0, -8)
    top = jnp.bitwise_and(s1 + 7, -8)
    nchunks = (top - a0 + _C - 1) // _C

    def off(k):
        o = jnp.maximum(0, jnp.minimum(a0 + k * _C, top - _C))
        return pl.multiple_of(o, 8)

    def start(k, buf, sem):
        pltpu.make_async_copy(x_hbm.at[pl.ds(off(k), _C)], buf, sem).start()

    @pl.when(nchunks > 0)
    def _p0():
        start(0, buf0, sem0)

    @pl.when(nchunks > 1)
    def _p1():
        start(1, buf1, sem1)

    neg = jnp.full((_L,), _NEG, jnp.float32)
    acc = [neg] * (2 * _NV)

    def make_row_body(buf, base):
        def row_body(r, a):
            a = list(a)
            for j in range(_NV):
                a[base + j] = jnp.maximum(a[base + j], buf[r, pl.ds(j * _L, _L)])
            return tuple(a)
        return row_body

    def chunk(k, buf, sem, acc):
        @pl.when(k < nchunks)
        def _w():
            pltpu.make_async_copy(
                x_hbm.at[pl.ds(off(k), _C)], buf, sem).wait()

        valid = k < nchunks
        o = off(k)
        i0 = jnp.where(valid, jnp.clip(s0 - o, 0, _C), 0)
        i1 = jnp.where(valid, jnp.clip(sm - o, 0, _C), 0)
        i2 = jnp.where(valid, jnp.clip(s1 - o, 0, _C), 0)
        acc = lax.fori_loop(i0, i1, make_row_body(buf, 0), acc)
        acc = lax.fori_loop(i1, i2, make_row_body(buf, _NV), acc)

        @pl.when(k + 2 < nchunks)
        def _n():
            start(k + 2, buf, sem)

        return acc

    def pair(p, acc):
        acc = chunk(2 * p, buf0, sem0, acc)
        acc = chunk(2 * p + 1, buf1, sem1, acc)
        return acc

    acc = lax.fori_loop(0, (nchunks + 1) // 2, pair, tuple(acc))

    for j in range(_NV):
        accv[pl.ds(j * _L, _L)] = acc[j]
        accv[pl.ds(_D + j * _L, _L)] = acc[_NV + j]
    pltpu.sync_copy(accv, out_hbm.at[pl.ds(wid * 2 * _D, 2 * _D)])


@jax.jit
def kernel(x, batch):
    mesh = plsc.VectorSubcoreMesh(core_axis_name="c", subcore_axis_name="s")
    f = pl.kernel(
        _sc_body,
        out_type=jax.ShapeDtypeStruct((_G * _D,), jnp.float32),
        mesh=mesh,
        compiler_params=pltpu.CompilerParams(needs_layout_passes=False),
        scratch_types=[
            pltpu.VMEM((_N,), jnp.int32),
            pltpu.VMEM_SHARED((_N,), jnp.int32),
            pltpu.VMEM((_C, _D), jnp.float32),
            pltpu.VMEM((_C, _D), jnp.float32),
            pltpu.VMEM((2 * _D,), jnp.float32),
            pltpu.SemaphoreType.DMA,
            pltpu.SemaphoreType.DMA,
        ],
    )
    return f(x, batch).reshape(_G, _D)

# --- scband reference (transcript-rebuilt; emitter-appended) ---
"""Pipeline reference for scband-pool-45827301048447 (READ-ONLY COPY).

The authoritative reference and input builder live on the scoring server;
editing this copy changes nothing except your own understanding.
"""

import jax, jax.numpy as jnp
import numpy as np

NUM_GRAPHS = 64

def setup_inputs(seed: int = 0) -> dict:
    key = jax.random.key(seed)
    k1, k2 = jax.random.split(key)
    N, d = 50000, 256
    x = jax.random.normal(k1, (N, d), dtype=jnp.float32)
    batch = jnp.sort(jax.random.randint(k2, (N,), 0, NUM_GRAPHS)).astype(jnp.int32)
    return {"x": x, "batch": batch}

def reference(x, batch):
    # global_max_pool: per-graph max over node features -> [num_graphs, d]
    return jax.ops.segment_max(x, batch, num_segments=NUM_GRAPHS)

if __name__ == "__main__":
    import jax
    _d = setup_inputs()
    print(jax.jit(kernel)(*tuple(_d.values())))

</pallas_src>

<mosaic_0001>
#map = affine_map<(d0, d1) -> (0, 0)>
#map1 = affine_map<(d0, d1) -> (0)>
module attributes {stable_mosaic.version = 14 : i64} {
  func.func @_sc_body(%arg0: i32, %arg1: i32, %arg2: memref<50000x256xf32, #tpu.memory_space<hbm>>, %arg3: memref<50000xi32, #tpu.memory_space<hbm>>, %arg4: memref<16384xf32, #tpu.memory_space<hbm>>, %arg5: memref<50000xi32, #tpu.memory_space<vmem>>, %arg6: memref<50000xi32, #tpu.memory_space<vmem_shared>>, %arg7: memref<144x256xf32, #tpu.memory_space<vmem>>, %arg8: memref<144x256xf32, #tpu.memory_space<vmem>>, %arg9: memref<512xf32, #tpu.memory_space<vmem>>, %arg10: memref<!tpu.dma_semaphore, #tpu.memory_space<semaphore_mem>>, %arg11: memref<!tpu.dma_semaphore, #tpu.memory_space<semaphore_mem>>) attributes {dimension_semantics = [#tpu.dimension_semantics<core_parallel>, #tpu.dimension_semantics<subcore_parallel>], iteration_bounds = array<i64: 2, 16>, scalar_prefetch = 0 : i64, scratch_operands = 7 : i64, tpu.core_type = #tpu.core_type<sc_vector_subcore>, window_params = [{transform_indices = #map}, {transform_indices = #map1}, {transform_indices = #map1}]} {
    %mul3A = arith.constant 2 : i32
    %mul3A_0 = arith.muli %arg1, %mul3A : i32
    %add3A = arith.addi %mul3A_0, %arg0 : i32
    %eq3A = arith.constant 0 : i32
    %eq3A_1 = arith.cmpi eq, %arg1, %eq3A : i32
    %convert_element_type3A = arith.extui %eq3A_1 : i1 to i32
    %cond3A = arith.constant 0 : i32
    %cond3A_2 = arith.cmpi ne, %convert_element_type3A, %cond3A : i32
    scf.if %cond3A_2 {
      "tpu.region"() ({
        %run_scoped3A = tpu.sem_alloc : memref<!tpu.dma_semaphore, #tpu.memory_space<semaphore_mem>>
        tpu.enqueue_dma source(%arg3 : memref<50000xi32, #tpu.memory_space<hbm>>) target(%arg6 : memref<50000xi32, #tpu.memory_space<vmem_shared>>) target_semaphore(%run_scoped3A : memref<!tpu.dma_semaphore, #tpu.memory_space<semaphore_mem>>)
        tpu.wait_dma2 semaphore(%run_scoped3A : memref<!tpu.dma_semaphore, #tpu.memory_space<semaphore_mem>>) src(%arg3 : memref<50000xi32, #tpu.memory_space<hbm>>) dst(%arg6 : memref<50000xi32, #tpu.memory_space<vmem_shared>>)
        tpu.yield
      }) : () -> ()
    } else {
    }
    %barrier3A = arith.constant 0 : index
    tpu.barrier barrier_id(%barrier3A)
    "tpu.region"() ({
      %run_scoped3A = tpu.sem_alloc : memref<!tpu.dma_semaphore, #tpu.memory_space<semaphore_mem>>
      tpu.enqueue_dma source(%arg6 : memref<50000xi32, #tpu.memory_space<vmem_shared>>) target(%arg5 : memref<50000xi32, #tpu.memory_space<vmem>>) target_semaphore(%run_scoped3A : memref<!tpu.dma_semaphore, #tpu.memory_space<semaphore_mem>>)
      tpu.wait_dma2 semaphore(%run_scoped3A : memref<!tpu.dma_semaphore, #tpu.memory_space<semaphore_mem>>) src(%arg6 : memref<50000xi32, #tpu.memory_space<vmem_shared>>) dst(%arg5 : memref<50000xi32, #tpu.memory_space<vmem>>)
      tpu.yield
    }) : () -> ()
    %iota3A = tpu.iota {dimensions = array<i32: 0>} : vector<16xi32>
    %mul3A_3 = arith.constant 2 : i32
    %mul3A_4 = arith.muli %mul3A_3, %add3A : i32
    %add3A_5 = vector.broadcast %mul3A_4 : i32 to vector<16xi32>
    %add3A_6 = arith.addi %add3A_5, %iota3A : vector<16xi32>
    %broadcast_in_dim3A = arith.constant 0 : i32
    %broadcast_in_dim3A_7 = vector.broadcast %broadcast_in_dim3A : i32 to vector<16xi32>
    %broadcast_in_dim3A_8 = arith.constant 50000 : i32
    %broadcast_in_dim3A_9 = vector.broadcast %broadcast_in_dim3A_8 : i32 to vector<16xi32>
    %scan3A = arith.constant 0 : i32
    %scan3A_10 = arith.constant 16 : i32
    %scan3A_11 = arith.addi %scan3A, %scan3A_10 : i32
    %scan3A_12 = arith.constant 1 : i32
    %scan3A_13:2 = scf.for %scan3A_200 = %scan3A to %scan3A_11 step %scan3A_12 iter_args(%scan3A_201 = %broadcast_in_dim3A_7, %scan3A_202 = %broadcast_in_dim3A_9) -> (vector<16xi32>, vector<16xi32>)  : i32 {
      %lt3A = arith.cmpi slt, %scan3A_201, %scan3A_202 : vector<16xi32>
      %add3A_203 = arith.addi %scan3A_201, %scan3A_202 : vector<16xi32>
      %shift_right_logical3A = arith.constant 1 : i32
      %shift_right_logical3A_204 = vector.broadcast %shift_right_logical3A : i32 to vector<16xi32>
      %shift_right_logical3A_205 = arith.shrui %add3A_203, %shift_right_logical3A_204 : vector<16xi32>
      %min3A = arith.constant 49999 : i32
      %min3A_206 = vector.broadcast %min3A : i32 to vector<16xi32>
      %min3A_207 = arith.minsi %shift_right_logical3A_205, %min3A_206 : vector<16xi32>
      %gather3A = tpu.vector_load_idx %arg5[%min3A_207] : memref<50000xi32, #tpu.memory_space<vmem>>[vector<16xi32>], vector<16xi32>,
      %lt3A_208 = arith.cmpi slt, %gather3A, %add3A_6 : vector<16xi32>
      %and3A_209 = arith.andi %lt3A, %lt3A_208 : vector<16xi1>
      %add3A_210 = arith.constant 1 : i32
      %add3A_211 = vector.broadcast %add3A_210 : i32 to vector<16xi32>
      %add3A_212 = arith.addi %shift_right_logical3A_205, %add3A_211 : vector<16xi32>
      %select_n3A_213 = arith.select %and3A_209, %add3A_212, %scan3A_201 : vector<16xi1>, vector<16xi32>
      %not3A = arith.constant dense<true> : vector<16xi1>
      %not3A_214 = arith.xori %lt3A_208, %not3A : vector<16xi1>
      %and3A_215 = arith.andi %lt3A, %not3A_214 : vector<16xi1>
      %select_n3A_216 = arith.select %and3A_215, %shift_right_logical3A_205, %scan3A_202 : vector<16xi1>, vector<16xi32>
      scf.yield %select_n3A_213, %select_n3A_216 : vector<16xi32>, vector<16xi32>
    }
    %scan3A_14 = arith.constant 16 : i32
    %iota3A_15 = tpu.iota {dimensions = array<i32: 0>} : vector<16xi32>
    %eq3A_16 = arith.constant 0 : i32
    %eq3A_17 = vector.broadcast %eq3A_16 : i32 to vector<16xi32>
    %eq3A_18 = arith.cmpi eq, %iota3A_15, %eq3A_17 : vector<16xi32>
    %jit3A = arith.constant 0 : i32
    %broadcast_in_dim3A_19 = vector.broadcast %jit3A : i32 to vector<16xi32>
    %select_n3A = arith.select %eq3A_18, %scan3A_13#0, %broadcast_in_dim3A_19 : vector<16xi1>, vector<16xi32>
    %reduce_max3A = arith.constant true
    %reduce_max3A_20 = vector.broadcast %reduce_max3A : i1 to vector<16xi1>
    %reduce_max3A_21 = arith.constant -2147483648 : i32
    %reduce_max3A_22 = vector.broadcast %reduce_max3A_21 : i32 to vector<16xi32>
    %reduce_max3A_23 = arith.xori %select_n3A, %reduce_max3A_22 : vector<16xi32>
    %reduce_max3A_24 = tpu.scan <max>, %reduce_max3A_23 masked %reduce_max3A_20 : vector<16xi32>, vector<16xi1> -> vector<16xi32>
    %reduce_max3A_25 = arith.xori %reduce_max3A_24, %reduce_max3A_22 : vector<16xi32>
    %reduce_max3A_26 = vector.extract %reduce_max3A_25[15] : i32 from vector<16xi32>
    %iota3A_27 = tpu.iota {dimensions = array<i32: 0>} : vector<16xi32>
    %eq3A_28 = arith.constant 1 : i32
    %eq3A_29 = vector.broadcast %eq3A_28 : i32 to vector<16xi32>
    %eq3A_30 = arith.cmpi eq, %iota3A_27, %eq3A_29 : vector<16xi32>
    %jit3A_31 = arith.constant 0 : i32
    %broadcast_in_dim3A_32 = vector.broadcast %jit3A_31 : i32 to vector<16xi32>
    %select_n3A_33 = arith.select %eq3A_30, %scan3A_13#0, %broadcast_in_dim3A_32 : vector<16xi1>, vector<16xi32>
    %reduce_max3A_34 = arith.constant true
    %reduce_max3A_35 = vector.broadcast %reduce_max3A_34 : i1 to vector<16xi1>
    %reduce_max3A_36 = arith.constant -2147483648 : i32
    %reduce_max3A_37 = vector.broadcast %reduce_max3A_36 : i32 to vector<16xi32>
    %reduce_max3A_38 = arith.xori %select_n3A_33, %reduce_max3A_37 : vector<16xi32>
    %reduce_max3A_39 = tpu.scan <max>, %reduce_max3A_38 masked %reduce_max3A_35 : vector<16xi32>, vector<16xi1> -> vector<16xi32>
    %reduce_max3A_40 = arith.xori %reduce_max3A_39, %reduce_max3A_37 : vector<16xi32>
    %reduce_max3A_41 = vector.extract %reduce_max3A_40[15] : i32 from vector<16xi32>
    %iota3A_42 = tpu.iota {dimensions = array<i32: 0>} : vector<16xi32>
    %eq3A_43 = arith.constant 2 : i32
    %eq3A_44 = vector.broadcast %eq3A_43 : i32 to vector<16xi32>
    %eq3A_45 = arith.cmpi eq, %iota3A_42, %eq3A_44 : vector<16xi32>
    %jit3A_46 = arith.constant 0 : i32
    %broadcast_in_dim3A_47 = vector.broadcast %jit3A_46 : i32 to vector<16xi32>
    %select_n3A_48 = arith.select %eq3A_45, %scan3A_13#0, %broadcast_in_dim3A_47 : vector<16xi1>, vector<16xi32>
    %reduce_max3A_49 = arith.constant true
    %reduce_max3A_50 = vector.broadcast %reduce_max3A_49 : i1 to vector<16xi1>
    %reduce_max3A_51 = arith.constant -2147483648 : i32
    %reduce_max3A_52 = vector.broadcast %reduce_max3A_51 : i32 to vector<16xi32>
    %reduce_max3A_53 = arith.xori %select_n3A_48, %reduce_max3A_52 : vector<16xi32>
    %reduce_max3A_54 = tpu.scan <max>, %reduce_max3A_53 masked %reduce_max3A_50 : vector<16xi32>, vector<16xi1> -> vector<16xi32>
    %reduce_max3A_55 = arith.xori %reduce_max3A_54, %reduce_max3A_52 : vector<16xi32>
    %reduce_max3A_56 = vector.extract %reduce_max3A_55[15] : i32 from vector<16xi32>
    %and3A = arith.constant -8 : i32
    %and3A_57 = arith.andi %reduce_max3A_26, %and3A : i32
    %add3A_58 = arith.constant 7 : i32
    %add3A_59 = arith.addi %reduce_max3A_56, %add3A_58 : i32
    %and3A_60 = arith.constant -8 : i32
    %and3A_61 = arith.andi %add3A_59, %and3A_60 : i32
    %sub3A = arith.subi %and3A_61, %and3A_57 : i32
    %add3A_62 = arith.constant 144 : i32
    %add3A_63 = arith.addi %sub3A, %add3A_62 : i32
    %sub3A_64 = arith.constant 1 : i32
    %sub3A_65 = arith.subi %add3A_63, %sub3A_64 : i32
    %jit3A_66 = arith.constant 144 : i32
    %div3A = arith.divsi %sub3A_65, %jit3A_66 : i32
    %sign3A = arith.constant 0 : i32
    %sign3A_67 = arith.cmpi sgt, %sub3A_65, %sign3A : i32
    %sign3A_68 = arith.extui %sign3A_67 : i1 to i32
    %sign3A_69 = arith.constant 0 : i32
    %sign3A_70 = arith.cmpi slt, %sub3A_65, %sign3A_69 : i32
    %sign3A_71 = arith.extui %sign3A_70 : i1 to i32
    %sign3A_72 = arith.subi %sign3A_68, %sign3A_71 : i32
    %sign3A_73 = arith.constant 0 : i32
    %sign3A_74 = arith.cmpi sgt, %jit3A_66, %sign3A_73 : i32
    %sign3A_75 = arith.extui %sign3A_74 : i1 to i32
    %sign3A_76 = arith.constant 0 : i32
    %sign3A_77 = arith.cmpi slt, %jit3A_66, %sign3A_76 : i32
    %sign3A_78 = arith.extui %sign3A_77 : i1 to i32
    %sign3A_79 = arith.subi %sign3A_75, %sign3A_78 : i32
    %ne3A = arith.cmpi ne, %sign3A_72, %sign3A_79 : i32
    %rem3A = arith.remsi %sub3A_65, %jit3A_66 : i32
    %ne3A_80 = arith.constant 0 : i32
    %ne3A_81 = arith.cmpi ne, %rem3A, %ne3A_80 : i32
    %and3A_82 = arith.andi %ne3A, %ne3A_81 : i1
    %sub3A_83 = arith.constant 1 : i32
    %sub3A_84 = arith.subi %div3A, %sub3A_83 : i32
    %select_n3A_85 = arith.select %and3A_82, %sub3A_84, %div3A : i32
    %gt3A = arith.constant 0 : i32
    %gt3A_86 = arith.cmpi sgt, %select_n3A_85, %gt3A : i32
    %convert_element_type3A_87 = arith.extui %gt3A_86 : i1 to i32
    %cond3A_88 = arith.constant 0 : i32
    %cond3A_89 = arith.cmpi ne, %convert_element_type3A_87, %cond3A_88 : i32
    scf.if %cond3A_89 {
      %add3A_200 = arith.constant 0 : i32
      %add3A_201 = arith.addi %and3A_57, %add3A_200 : i32
      %sub3A_202 = arith.constant 144 : i32
      %sub3A_203 = arith.subi %and3A_61, %sub3A_202 : i32
      %min3A = arith.minsi %add3A_201, %sub3A_203 : i32
      %max3A = arith.constant 0 : i32
      %max3A_204 = arith.maxsi %max3A, %min3A : i32
      %multiple_of3A = tpu.assume_multiple %max3A_204, 8 : i32
      %dma_start3A = arith.constant 0 : i32
      %dma_start3A_205 = tpu.memref_slice %arg2[%multiple_of3A, %dma_start3A] : memref<50000x256xf32, #tpu.memory_space<hbm>> -> memref<144x256xf32, #tpu.memory_space<hbm>>
      %dma_start3A_206 = arith.constant 0 : i32
      %dma_start3A_207 = tpu.memref_slice %arg2[%multiple_of3A, %dma_start3A_206] : memref<50000x256xf32, #tpu.memory_space<hbm>> -> memref<144x256xf32, #tpu.memory_space<hbm>>
      tpu.enqueue_dma source(%dma_start3A_207 : memref<144x256xf32, #tpu.memory_space<hbm>>) target(%arg7 : memref<144x256xf32, #tpu.memory_space<vmem>>) target_semaphore(%arg10 : memref<!tpu.dma_semaphore, #tpu.memory_space<semaphore_mem>>)
    } else {
    }
    %gt3A_90 = arith.constant 1 : i32
    %gt3A_91 = arith.cmpi sgt, %select_n3A_85, %gt3A_90 : i32
    %convert_element_type3A_92 = arith.extui %gt3A_91 : i1 to i32
    %cond3A_93 = arith.constant 0 : i32
    %cond3A_94 = arith.cmpi ne, %convert_element_type3A_92, %cond3A_93 : i32
    scf.if %cond3A_94 {
      %add3A_200 = arith.constant 144 : i32
      %add3A_201 = arith.addi %and3A_57, %add3A_200 : i32
      %sub3A_202 = arith.constant 144 : i32
      %sub3A_203 = arith.subi %and3A_61, %sub3A_202 : i32
      %min3A = arith.minsi %add3A_201, %sub3A_203 : i32
      %max3A = arith.constant 0 : i32
      %max3A_204 = arith.maxsi %max3A, %min3A : i32
      %multiple_of3A = tpu.assume_multiple %max3A_204, 8 : i32
      %dma_start3A = arith.constant 0 : i32
      %dma_start3A_205 = tpu.memref_slice %arg2[%multiple_of3A, %dma_start3A] : memref<50000x256xf32, #tpu.memory_space<hbm>> -> memref<144x256xf32, #tpu.memory_space<hbm>>
      %dma_start3A_206 = arith.constant 0 : i32
      %dma_start3A_207 = tpu.memref_slice %arg2[%multiple_of3A, %dma_start3A_206] : memref<50000x256xf32, #tpu.memory_space<hbm>> -> memref<144x256xf32, #tpu.memory_space<hbm>>
      tpu.enqueue_dma source(%dma_start3A_207 : memref<144x256xf32, #tpu.memory_space<hbm>>) target(%arg8 : memref<144x256xf32, #tpu.memory_space<vmem>>) target_semaphore(%arg11 : memref<!tpu.dma_semaphore, #tpu.memory_space<semaphore_mem>>)
    } else {
    }
    %broadcast_in_dim3A_95 = arith.constant 0xFF800000 : f32
    %broadcast_in_dim3A_96 = vector.broadcast %broadcast_in_dim3A_95 : f32 to vector<16xf32>
    %add3A_97 = arith.constant 1 : i32
    %add3A_98 = arith.addi %select_n3A_85, %add3A_97 : i32
    %jit3A_99 = arith.constant 2 : i32
    %div3A_100 = arith.divsi %add3A_98, %jit3A_99 : i32
    %sign3A_101 = arith.constant 0 : i32
    %sign3A_102 = arith.cmpi sgt, %add3A_98, %sign3A_101 : i32
    %sign3A_103 = arith.extui %sign3A_102 : i1 to i32
    %sign3A_104 = arith.constant 0 : i32
    %sign3A_105 = arith.cmpi slt, %add3A_98, %sign3A_104 : i32
    %sign3A_106 = arith.extui %sign3A_105 : i1 to i32
    %sign3A_107 = arith.subi %sign3A_103, %sign3A_106 : i32
    %sign3A_108 = arith.constant 0 : i32
    %sign3A_109 = arith.cmpi sgt, %jit3A_99, %sign3A_108 : i32
    %sign3A_110 = arith.extui %sign3A_109 : i1 to i32
    %sign3A_111 = arith.constant 0 : i32
    %sign3A_112 = arith.cmpi slt, %jit3A_99, %sign3A_111 : i32
    %sign3A_113 = arith.extui %sign3A_112 : i1 to i32
    %sign3A_114 = arith.subi %sign3A_110, %sign3A_113 : i32
    %ne3A_115 = arith.cmpi ne, %sign3A_107, %sign3A_114 : i32
    %rem3A_116 = arith.remsi %add3A_98, %jit3A_99 : i32
    %ne3A_117 = arith.constant 0 : i32
    %ne3A_118 = arith.cmpi ne, %rem3A_116, %ne3A_117 : i32
    %and3A_119 = arith.andi %ne3A_115, %ne3A_118 : i1
    %sub3A_120 = arith.constant 1 : i32
    %sub3A_121 = arith.subi %div3A_100, %sub3A_120 : i32
    %select_n3A_122 = arith.select %and3A_119, %sub3A_121, %div3A_100 : i32
    %while3A = arith.constant 0 : i32
    %while3A_123 = arith.subi %select_n3A_122, %while3A : i32
    %while3A_124 = arith.addi %while3A, %while3A_123 : i32
    %while3A_125 = arith.constant 1 : i32
    %while3A_126 = arith.divsi %while3A_123, %while3A_125 : i32
    %while3A_127 = arith.muli %while3A_126, %while3A_125 : i32
    %while3A_128 = arith.addi %while3A, %while3A_127 : i32
    %while3A_129 = arith.constant 1 : i32
    %while3A_130:32 = scf.for %while3A_200 = %while3A to %while3A_128 step %while3A_129 iter_args(%while3A_201 = %broadcast_in_dim3A_96, %while3A_202 = %broadcast_in_dim3A_96, %while3A_203 = %broadcast_in_dim3A_96, %while3A_204 = %broadcast_in_dim3A_96, %while3A_205 = %broadcast_in_dim3A_96, %while3A_206 = %broadcast_in_dim3A_96, %while3A_207 = %broadcast_in_dim3A_96, %while3A_208 = %broadcast_in_dim3A_96, %while3A_209 = %broadcast_in_dim3A_96, %while3A_210 = %broadcast_in_dim3A_96, %while3A_211 = %broadcast_in_dim3A_96, %while3A_212 = %broadcast_in_dim3A_96, %while3A_213 = %broadcast_in_dim3A_96, %while3A_214 = %broadcast_in_dim3A_96, %while3A_215 = %broadcast_in_dim3A_96, %while3A_216 = %broadcast_in_dim3A_96, %while3A_217 = %broadcast_in_dim3A_96, %while3A_218 = %broadcast_in_dim3A_96, %while3A_219 = %broadcast_in_dim3A_96, %while3A_220 = %broadcast_in_dim3A_96, %while3A_221 = %broadcast_in_dim3A_96, %while3A_222 = %broadcast_in_dim3A_96, %while3A_223 = %broadcast_in_dim3A_96, %while3A_224 = %broadcast_in_dim3A_96, %while3A_225 = %broadcast_in_dim3A_96, %while3A_226 = %broadcast_in_dim3A_96, %while3A_227 = %broadcast_in_dim3A_96, %while3A_228 = %broadcast_in_dim3A_96, %while3A_229 = %broadcast_in_dim3A_96, %while3A_230 = %broadcast_in_dim3A_96, %while3A_231 = %broadcast_in_dim3A_96, %while3A_232 = %broadcast_in_dim3A_96) -> (vector<16xf32>, vector<16xf32>, vector<16xf32>, vector<16xf32>, vector<16xf32>, vector<16xf32>, vector<16xf32>, vector<16xf32>, vector<16xf32>, vector<16xf32>, vector<16xf32>, vector<16xf32>, vector<16xf32>, vector<16xf32>, vector<16xf32>, vector<16xf32>, vector<16xf32>, vector<16xf32>, vector<16xf32>, vector<16xf32>, vector<16xf32>, vector<16xf32>, vector<16xf32>, vector<16xf32>, vector<16xf32>, vector<16xf32>, vector<16xf32>, vector<16xf32>, vector<16xf32>, vector<16xf32>, vector<16xf32>, vector<16xf32>)  : i32 {
      %mul3A_233 = arith.constant 2 : i32
      %mul3A_234 = arith.muli %mul3A_233, %while3A_200 : i32
      %lt3A = arith.cmpi slt, %mul3A_234, %select_n3A_85 : i32
      %convert_element_type3A_235 = arith.extui %lt3A : i1 to i32
      %cond3A_236 = arith.constant 0 : i32
      %cond3A_237 = arith.cmpi ne, %convert_element_type3A_235, %cond3A_236 : i32
      scf.if %cond3A_237 {
        %mul3A_357 = arith.constant 144 : i32
        %mul3A_358 = arith.muli %mul3A_234, %mul3A_357 : i32
        %add3A_359 = arith.addi %and3A_57, %mul3A_358 : i32
        %sub3A_360 = arith.constant 144 : i32
        %sub3A_361 = arith.subi %and3A_61, %sub3A_360 : i32
        %min3A_362 = arith.minsi %add3A_359, %sub3A_361 : i32
        %max3A_363 = arith.constant 0 : i32
        %max3A_364 = arith.maxsi %max3A_363, %min3A_362 : i32
        %multiple_of3A_365 = tpu.assume_multiple %max3A_364, 8 : i32
        %dma_wait3A = arith.constant 0 : i32
        %dma_wait3A_366 = tpu.memref_slice %arg2[%multiple_of3A_365, %dma_wait3A] : memref<50000x256xf32, #tpu.memory_space<hbm>> -> memref<144x256xf32, #tpu.memory_space<hbm>>
        %dma_wait3A_367 = arith.constant 0 : i32
        %dma_wait3A_368 = tpu.memref_slice %arg2[%multiple_of3A_365, %dma_wait3A_367] : memref<50000x256xf32, #tpu.memory_space<hbm>> -> memref<144x256xf32, #tpu.memory_space<hbm>>
        tpu.wait_dma2 semaphore(%arg10 : memref<!tpu.dma_semaphore, #tpu.memory_space<semaphore_mem>>) src(%dma_wait3A_368 : memref<144x256xf32, #tpu.memory_space<hbm>>) dst(%arg7 : memref<144x256xf32, #tpu.memory_space<vmem>>)
      } else {
      }
      %lt3A_238 = arith.cmpi slt, %mul3A_234, %select_n3A_85 : i32
      %mul3A_239 = arith.constant 144 : i32
      %mul3A_240 = arith.muli %mul3A_234, %mul3A_239 : i32
      %add3A_241 = arith.addi %and3A_57, %mul3A_240 : i32
      %sub3A_242 = arith.constant 144 : i32
      %sub3A_243 = arith.subi %and3A_61, %sub3A_242 : i32
      %min3A = arith.minsi %add3A_241, %sub3A_243 : i32
      %max3A = arith.constant 0 : i32
      %max3A_244 = arith.maxsi %max3A, %min3A : i32
      %multiple_of3A = tpu.assume_multiple %max3A_244, 8 : i32
      %sub3A_245 = arith.subi %reduce_max3A_26, %multiple_of3A : i32
      %jit3A_246 = arith.constant 0 : i32
      %jit3A_247 = arith.constant 144 : i32
      %max3A_248 = arith.maxsi %jit3A_246, %sub3A_245 : i32
      %min3A_249 = arith.minsi %jit3A_247, %max3A_248 : i32
      %jit3A_250 = arith.constant 0 : i32
      %select_n3A_251 = arith.select %lt3A_238, %min3A_249, %jit3A_250 : i32
      %sub3A_252 = arith.subi %reduce_max3A_41, %multiple_of3A : i32
      %jit3A_253 = arith.constant 0 : i32
      %jit3A_254 = arith.constant 144 : i32
      %max3A_255 = arith.maxsi %jit3A_253, %sub3A_252 : i32
      %min3A_256 = arith.minsi %jit3A_254, %max3A_255 : i32
      %jit3A_257 = arith.constant 0 : i32
      %select_n3A_258 = arith.select %lt3A_238, %min3A_256, %jit3A_257 : i32
      %sub3A_259 = arith.subi %reduce_max3A_56, %multiple_of3A : i32
      %jit3A_260 = arith.constant 0 : i32
      %jit3A_261 = arith.constant 144 : i32
      %max3A_262 = arith.maxsi %jit3A_260, %sub3A_259 : i32
      %min3A_263 = arith.minsi %jit3A_261, %max3A_262 : i32
      %jit3A_264 = arith.constant 0 : i32
      %select_n3A_265 = arith.select %lt3A_238, %min3A_263, %jit3A_264 : i32
      %while3A_266 = arith.subi %select_n3A_258, %select_n3A_251 : i32
      %while3A_267 = arith.addi %select_n3A_251, %while3A_266 : i32
      %while3A_268 = arith.constant 1 : i32
      %while3A_269 = arith.divsi %while3A_266, %while3A_268 : i32
      %while3A_270 = arith.muli %while3A_269, %while3A_268 : i32
      %while3A_271 = arith.addi %select_n3A_251, %while3A_270 : i32
      %while3A_272 = arith.constant 1 : i32
      %while3A_273:16 = scf.for %while3A_357 = %select_n3A_251 to %while3A_271 step %while3A_272 iter_args(%while3A_358 = %while3A_201, %while3A_359 = %while3A_202, %while3A_360 = %while3A_203, %while3A_361 = %while3A_204, %while3A_362 = %while3A_205, %while3A_363 = %while3A_206, %while3A_364 = %while3A_207, %while3A_365 = %while3A_208, %while3A_366 = %while3A_209, %while3A_367 = %while3A_210, %while3A_368 = %while3A_211, %while3A_369 = %while3A_212, %while3A_370 = %while3A_213, %while3A_371 = %while3A_214, %while3A_372 = %while3A_215, %while3A_373 = %while3A_216) -> (vector<16xf32>, vector<16xf32>, vector<16xf32>, vector<16xf32>, vector<16xf32>, vector<16xf32>, vector<16xf32>, vector<16xf32>, vector<16xf32>, vector<16xf32>, vector<16xf32>, vector<16xf32>, vector<16xf32>, vector<16xf32>, vector<16xf32>, vector<16xf32>)  : i32 {
        %get3A = arith.index_cast %while3A_357 : i32 to index
        %get3A_374 = arith.constant 0 : index
        %get3A_375 = tpu.vector_load %arg7[%get3A, %get3A_374] {strides = array<i32>} : memref<144x256xf32, #tpu.memory_space<vmem>>, vector<16xf32>,
        %max3A_376 = arith.maximumf %while3A_358, %get3A_375 : vector<16xf32>
        %get3A_377 = arith.index_cast %while3A_357 : i32 to index
        %get3A_378 = arith.constant 16 : index
        %get3A_379 = tpu.vector_load %arg7[%get3A_377, %get3A_378] {strides = array<i32>} : memref<144x256xf32, #tpu.memory_space<vmem>>, vector<16xf32>,
        %max3A_380 = arith.maximumf %while3A_359, %get3A_379 : vector<16xf32>
        %get3A_381 = arith.index_cast %while3A_357 : i32 to index
        %get3A_382 = arith.constant 32 : index
        %get3A_383 = tpu.vector_load %arg7[%get3A_381, %get3A_382] {strides = array<i32>} : memref<144x256xf32, #tpu.memory_space<vmem>>, vector<16xf32>,
        %max3A_384 = arith.maximumf %while3A_360, %get3A_383 : vector<16xf32>
        %get3A_385 = arith.index_cast %while3A_357 : i32 to index
        %get3A_386 = arith.constant 48 : index
        %get3A_387 = tpu.vector_load %arg7[%get3A_385, %get3A_386] {strides = array<i32>} : memref<144x256xf32, #tpu.memory_space<vmem>>, vector<16xf32>,
        %max3A_388 = arith.maximumf %while3A_361, %get3A_387 : vector<16xf32>
        %get3A_389 = arith.index_cast %while3A_357 : i32 to index
        %get3A_390 = arith.constant 64 : index
        %get3A_391 = tpu.vector_load %arg7[%get3A_389, %get3A_390] {strides = array<i32>} : memref<144x256xf32, #tpu.memory_space<vmem>>, vector<16xf32>,
        %max3A_392 = arith.maximumf %while3A_362, %get3A_391 : vector<16xf32>
        %get3A_393 = arith.index_cast %while3A_357 : i32 to index
        %get3A_394 = arith.constant 80 : index
        %get3A_395 = tpu.vector_load %arg7[%get3A_393, %get3A_394] {strides = array<i32>} : memref<144x256xf32, #tpu.memory_space<vmem>>, vector<16xf32>,
        %max3A_396 = arith.maximumf %while3A_363, %get3A_395 : vector<16xf32>
        %get3A_397 = arith.index_cast %while3A_357 : i32 to index
        %get3A_398 = arith.constant 96 : index
        %get3A_399 = tpu.vector_load %arg7[%get3A_397, %get3A_398] {strides = array<i32>} : memref<144x256xf32, #tpu.memory_space<vmem>>, vector<16xf32>,
        %max3A_400 = arith.maximumf %while3A_364, %get3A_399 : vector<16xf32>
        %get3A_401 = arith.index_cast %while3A_357 : i32 to index
        %get3A_402 = arith.constant 112 : index
        %get3A_403 = tpu.vector_load %arg7[%get3A_401, %get3A_402] {strides = array<i32>} : memref<144x256xf32, #tpu.memory_space<vmem>>, vector<16xf32>,
        %max3A_404 = arith.maximumf %while3A_365, %get3A_403 : vector<16xf32>
        %get3A_405 = arith.index_cast %while3A_357 : i32 to index
        %get3A_406 = arith.constant 128 : index
        %get3A_407 = tpu.vector_load %arg7[%get3A_405, %get3A_406] {strides = array<i32>} : memref<144x256xf32, #tpu.memory_space<vmem>>, vector<16xf32>,
        %max3A_408 = arith.maximumf %while3A_366, %get3A_407 : vector<16xf32>
        %get3A_409 = arith.index_cast %while3A_357 : i32 to index
        %get3A_410 = arith.constant 144 : index
        %get3A_411 = tpu.vector_load %arg7[%get3A_409, %get3A_410] {strides = array<i32>} : memref<144x256xf32, #tpu.memory_space<vmem>>, vector<16xf32>,
        %max3A_412 = arith.maximumf %while3A_367, %get3A_411 : vector<16xf32>
        %get3A_413 = arith.index_cast %while3A_357 : i32 to index
        %get3A_414 = arith.constant 160 : index
        %get3A_415 = tpu.vector_load %arg7[%get3A_413, %get3A_414] {strides = array<i32>} : memref<144x256xf32, #tpu.memory_space<vmem>>, vector<16xf32>,
        %max3A_416 = arith.maximumf %while3A_368, %get3A_415 : vector<16xf32>
        %get3A_417 = arith.index_cast %while3A_357 : i32 to index
        %get3A_418 = arith.constant 176 : index
        %get3A_419 = tpu.vector_load %arg7[%get3A_417, %get3A_418] {strides = array<i32>} : memref<144x256xf32, #tpu.memory_space<vmem>>, vector<16xf32>,
        %max3A_420 = arith.maximumf %while3A_369, %get3A_419 : vector<16xf32>
        %get3A_421 = arith.index_cast %while3A_357 : i32 to index
        %get3A_422 = arith.constant 192 : index
        %get3A_423 = tpu.vector_load %arg7[%get3A_421, %get3A_422] {strides = array<i32>} : memref<144x256xf32, #tpu.memory_space<vmem>>, vector<16xf32>,
        %max3A_424 = arith.maximumf %while3A_370, %get3A_423 : vector<16xf32>
        %get3A_425 = arith.index_cast %while3A_357 : i32 to index
        %get3A_426 = arith.constant 208 : index
        %get3A_427 = tpu.vector_load %arg7[%get3A_425, %get3A_426] {strides = array<i32>} : memref<144x256xf32, #tpu.memory_space<vmem>>, vector<16xf32>,
        %max3A_428 = arith.maximumf %while3A_371, %get3A_427 : vector<16xf32>
        %get3A_429 = arith.index_cast %while3A_357 : i32 to index
        %get3A_430 = arith.constant 224 : index
        %get3A_431 = tpu.vector_load %arg7[%get3A_429, %get3A_430] {strides = array<i32>} : memref<144x256xf32, #tpu.memory_space<vmem>>, vector<16xf32>,
        %max3A_432 = arith.maximumf %while3A_372, %get3A_431 : vector<16xf32>
        %get3A_433 = arith.index_cast %while3A_357 : i32 to index
        %get3A_434 = arith.constant 240 : index
        %get3A_435 = tpu.vector_load %arg7[%get3A_433, %get3A_434] {strides = array<i32>} : memref<144x256xf32, #tpu.memory_space<vmem>>, vector<16xf32>,
        %max3A_436 = arith.maximumf %while3A_373, %get3A_435 : vector<16xf32>
        scf.yield %max3A_376, %max3A_380, %max3A_384, %max3A_388, %max3A_392, %max3A_396, %max3A_400, %max3A_404, %max3A_408, %max3A_412, %max3A_416, %max3A_420, %max3A_424, %max3A_428, %max3A_432, %max3A_436 : vector<16xf32>, vector<16xf32>, vector<16xf32>, vector<16xf32>, vector<16xf32>, vector<16xf32>, vector<16xf32>, vector<16xf32>, vector<16xf32>, vector<16xf32>, vector<16xf32>, vector<16xf32>, vector<16xf32>, vector<16xf32>, vector<16xf32>, vector<16xf32>
      }
      %while3A_274 = arith.constant 1 : i32
      %while3A_275:16 = scf.for %while3A_357 = %while3A_271 to %while3A_267 step %while3A_274 iter_args(%while3A_358 = %while3A_273#0, %while3A_359 = %while3A_273#1, %while3A_360 = %while3A_273#2, %while3A_361 = %while3A_273#3, %while3A_362 = %while3A_273#4, %while3A_363 = %while3A_273#5, %while3A_364 = %while3A_273#6, %while3A_365 = %while3A_273#7, %while3A_366 = %while3A_273#8, %while3A_367 = %while3A_273#9, %while3A_368 = %while3A_273#10, %while3A_369 = %while3A_273#11, %while3A_370 = %while3A_273#12, %while3A_371 = %while3A_273#13, %while3A_372 = %while3A_273#14, %while3A_373 = %while3A_273#15) -> (vector<16xf32>, vector<16xf32>, vector<16xf32>, vector<16xf32>, vector<16xf32>, vector<16xf32>, vector<16xf32>, vector<16xf32>, vector<16xf32>, vector<16xf32>, vector<16xf32>, vector<16xf32>, vector<16xf32>, vector<16xf32>, vector<16xf32>, vector<16xf32>)  : i32 {
        %get3A = arith.index_cast %while3A_357 : i32 to index
        %get3A_374 = arith.constant 0 : index
        %get3A_375 = tpu.vector_load %arg7[%get3A, %get3A_374] {strides = array<i32>} : memref<144x256xf32, #tpu.memory_space<vmem>>, vector<16xf32>,
        %max3A_376 = arith.maximumf %while3A_358, %get3A_375 : vector<16xf32>
        %get3A_377 = arith.index_cast %while3A_357 : i32 to index
        %get3A_378 = arith.constant 16 : index
        %get3A_379 = tpu.vector_load %arg7[%get3A_377, %get3A_378] {strides = array<i32>} : memref<144x256xf32, #tpu.memory_space<vmem>>, vector<16xf32>,
        %max3A_380 = arith.maximumf %while3A_359, %get3A_379 : vector<16xf32>
        %get3A_381 = arith.index_cast %while3A_357 : i32 to index
        %get3A_382 = arith.constant 32 : index
        %get3A_383 = tpu.vector_load %arg7[%get3A_381, %get3A_382] {strides = array<i32>} : memref<144x256xf32, #tpu.memory_space<vmem>>, vector<16xf32>,
        %max3A_384 = arith.maximumf %while3A_360, %get3A_383 : vector<16xf32>
        %get3A_385 = arith.index_cast %while3A_357 : i32 to index
        %get3A_386 = arith.constant 48 : index
        %get3A_387 = tpu.vector_load %arg7[%get3A_385, %get3A_386] {strides = array<i32>} : memref<144x256xf32, #tpu.memory_space<vmem>>, vector<16xf32>,
        %max3A_388 = arith.maximumf %while3A_361, %get3A_387 : vector<16xf32>
        %get3A_389 = arith.index_cast %while3A_357 : i32 to index
        %get3A_390 = arith.constant 64 : index
        %get3A_391 = tpu.vector_load %arg7[%get3A_389, %get3A_390] {strides = array<i32>} : memref<144x256xf32, #tpu.memory_space<vmem>>, vector<16xf32>,
        %max3A_392 = arith.maximumf %while3A_362, %get3A_391 : vector<16xf32>
        %get3A_393 = arith.index_cast %while3A_357 : i32 to index
        %get3A_394 = arith.constant 80 : index
        %get3A_395 = tpu.vector_load %arg7[%get3A_393, %get3A_394] {strides = array<i32>} : memref<144x256xf32, #tpu.memory_space<vmem>>, vector<16xf32>,
        %max3A_396 = arith.maximumf %while3A_363, %get3A_395 : vector<16xf32>
        %get3A_397 = arith.index_cast %while3A_357 : i32 to index
        %get3A_398 = arith.constant 96 : index
        %get3A_399 = tpu.vector_load %arg7[%get3A_397, %get3A_398] {strides = array<i32>} : memref<144x256xf32, #tpu.memory_space<vmem>>, vector<16xf32>,
        %max3A_400 = arith.maximumf %while3A_364, %get3A_399 : vector<16xf32>
        %get3A_401 = arith.index_cast %while3A_357 : i32 to index
        %get3A_402 = arith.constant 112 : index
        %get3A_403 = tpu.vector_load %arg7[%get3A_401, %get3A_402] {strides = array<i32>} : memref<144x256xf32, #tpu.memory_space<vmem>>, vector<16xf32>,
        %max3A_404 = arith.maximumf %while3A_365, %get3A_403 : vector<16xf32>
        %get3A_405 = arith.index_cast %while3A_357 : i32 to index
        %get3A_406 = arith.constant 128 : index
        %get3A_407 = tpu.vector_load %arg7[%get3A_405, %get3A_406] {strides = array<i32>} : memref<144x256xf32, #tpu.memory_space<vmem>>, vector<16xf32>,
        %max3A_408 = arith.maximumf %while3A_366, %get3A_407 : vector<16xf32>
        %get3A_409 = arith.index_cast %while3A_357 : i32 to index
        %get3A_410 = arith.constant 144 : index
        %get3A_411 = tpu.vector_load %arg7[%get3A_409, %get3A_410] {strides = array<i32>} : memref<144x256xf32, #tpu.memory_space<vmem>>, vector<16xf32>,
        %max3A_412 = arith.maximumf %while3A_367, %get3A_411 : vector<16xf32>
        %get3A_413 = arith.index_cast %while3A_357 : i32 to index
        %get3A_414 = arith.constant 160 : index
        %get3A_415 = tpu.vector_load %arg7[%get3A_413, %get3A_414] {strides = array<i32>} : memref<144x256xf32, #tpu.memory_space<vmem>>, vector<16xf32>,
        %max3A_416 = arith.maximumf %while3A_368, %get3A_415 : vector<16xf32>
        %get3A_417 = arith.index_cast %while3A_357 : i32 to index
        %get3A_418 = arith.constant 176 : index
        %get3A_419 = tpu.vector_load %arg7[%get3A_417, %get3A_418] {strides = array<i32>} : memref<144x256xf32, #tpu.memory_space<vmem>>, vector<16xf32>,
        %max3A_420 = arith.maximumf %while3A_369, %get3A_419 : vector<16xf32>
        %get3A_421 = arith.index_cast %while3A_357 : i32 to index
        %get3A_422 = arith.constant 192 : index
        %get3A_423 = tpu.vector_load %arg7[%get3A_421, %get3A_422] {strides = array<i32>} : memref<144x256xf32, #tpu.memory_space<vmem>>, vector<16xf32>,
        %max3A_424 = arith.maximumf %while3A_370, %get3A_423 : vector<16xf32>
        %get3A_425 = arith.index_cast %while3A_357 : i32 to index
        %get3A_426 = arith.constant 208 : index
        %get3A_427 = tpu.vector_load %arg7[%get3A_425, %get3A_426] {strides = array<i32>} : memref<144x256xf32, #tpu.memory_space<vmem>>, vector<16xf32>,
        %max3A_428 = arith.maximumf %while3A_371, %get3A_427 : vector<16xf32>
        %get3A_429 = arith.index_cast %while3A_357 : i32 to index
        %get3A_430 = arith.constant 224 : index
        %get3A_431 = tpu.vector_load %arg7[%get3A_429, %get3A_430] {strides = array<i32>} : memref<144x256xf32, #tpu.memory_space<vmem>>, vector<16xf32>,
        %max3A_432 = arith.maximumf %while3A_372, %get3A_431 : vector<16xf32>
        %get3A_433 = arith.index_cast %while3A_357 : i32 to index
        %get3A_434 = arith.constant 240 : index
        %get3A_435 = tpu.vector_load %arg7[%get3A_433, %get3A_434] {strides = array<i32>} : memref<144x256xf32, #tpu.memory_space<vmem>>, vector<16xf32>,
        %max3A_436 = arith.maximumf %while3A_373, %get3A_435 : vector<16xf32>
        scf.yield %max3A_376, %max3A_380, %max3A_384, %max3A_388, %max3A_392, %max3A_396, %max3A_400, %max3A_404, %max3A_408, %max3A_412, %max3A_416, %max3A_420, %max3A_424, %max3A_428, %max3A_432, %max3A_436 : vector<16xf32>, vector<16xf32>, vector<16xf32>, vector<16xf32>, vector<16xf32>, vector<16xf32>, vector<16xf32>, vector<16xf32>, vector<16xf32>, vector<16xf32>, vector<16xf32>, vector<16xf32>, vector<16xf32>, vector<16xf32>, vector<16xf32>, vector<16xf32>
      }
      %while3A_276 = arith.subi %select_n3A_265, %select_n3A_258 : i32
      %while3A_277 = arith.addi %select_n3A_258, %while3A_276 : i32
      %while3A_278 = arith.constant 1 : i32
      %while3A_279 = arith.divsi %while3A_276, %while3A_278 : i32
      %while3A_280 = arith.muli %while3A_279, %while3A_278 : i32
      %while3A_281 = arith.addi %select_n3A_258, %while3A_280 : i32
      %while3A_282 = arith.constant 1 : i32
      %while3A_283:16 = scf.for %while3A_357 = %select_n3A_258 to %while3A_281 step %while3A_282 iter_args(%while3A_358 = %while3A_217, %while3A_359 = %while3A_218, %while3A_360 = %while3A_219, %while3A_361 = %while3A_220, %while3A_362 = %while3A_221, %while3A_363 = %while3A_222, %while3A_364 = %while3A_223, %while3A_365 = %while3A_224, %while3A_366 = %while3A_225, %while3A_367 = %while3A_226, %while3A_368 = %while3A_227, %while3A_369 = %while3A_228, %while3A_370 = %while3A_229, %while3A_371 = %while3A_230, %while3A_372 = %while3A_231, %while3A_373 = %while3A_232) -> (vector<16xf32>, vector<16xf32>, vector<16xf32>, vector<16xf32>, vector<16xf32>, vector<16xf32>, vector<16xf32>, vector<16xf32>, vector<16xf32>, vector<16xf32>, vector<16xf32>, vector<16xf32>, vector<16xf32>, vector<16xf32>, vector<16xf32>, vector<16xf32>)  : i32 {
        %get3A = arith.index_cast %while3A_357 : i32 to index
        %get3A_374 = arith.constant 0 : index
        %get3A_375 = tpu.vector_load %arg7[%get3A, %get3A_374] {strides = array<i32>} : memref<144x256xf32, #tpu.memory_space<vmem>>, vector<16xf32>,
        %max3A_376 = arith.maximumf %while3A_358, %get3A_375 : vector<16xf32>
        %get3A_377 = arith.index_cast %while3A_357 : i32 to index
        %get3A_378 = arith.constant 16 : index
        %get3A_379 = tpu.vector_load %arg7[%get3A_377, %get3A_378] {strides = array<i32>} : memref<144x256xf32, #tpu.memory_space<vmem>>, vector<16xf32>,
        %max3A_380 = arith.maximumf %while3A_359, %get3A_379 : vector<16xf32>
        %get3A_381 = arith.index_cast %while3A_357 : i32 to index
        %get3A_382 = arith.constant 32 : index
        %get3A_383 = tpu.vector_load %arg7[%get3A_381, %get3A_382] {strides = array<i32>} : memref<144x256xf32, #tpu.memory_space<vmem>>, vector<16xf32>,
        %max3A_384 = arith.maximumf %while3A_360, %get3A_383 : vector<16xf32>
        %get3A_385 = arith.index_cast %while3A_357 : i32 to index
        %get3A_386 = arith.constant 48 : index
        %get3A_387 = tpu.vector_load %arg7[%get3A_385, %get3A_386] {strides = array<i32>} : memref<144x256xf32, #tpu.memory_space<vmem>>, vector<16xf32>,
        %max3A_388 = arith.maximumf %while3A_361, %get3A_387 : vector<16xf32>
        %get3A_389 = arith.index_cast %while3A_357 : i32 to index
        %get3A_390 = arith.constant 64 : index
        %get3A_391 = tpu.vector_load %arg7[%get3A_389, %get3A_390] {strides = array<i32>} : memref<144x256xf32, #tpu.memory_space<vmem>>, vector<16xf32>,
        %max3A_392 = arith.maximumf %while3A_362, %get3A_391 : vector<16xf32>
        %get3A_393 = arith.index_cast %while3A_357 : i32 to index
        %get3A_394 = arith.constant 80 : index
        %get3A_395 = tpu.vector_load %arg7[%get3A_393, %get3A_394] {strides = array<i32>} : memref<144x256xf32, #tpu.memory_space<vmem>>, vector<16xf32>,
        %max3A_396 = arith.maximumf %while3A_363, %get3A_395 : vector<16xf32>
        %get3A_397 = arith.index_cast %while3A_357 : i32 to index
        %get3A_398 = arith.constant 96 : index
        %get3A_399 = tpu.vector_load %arg7[%get3A_397, %get3A_398] {strides = array<i32>} : memref<144x256xf32, #tpu.memory_space<vmem>>, vector<16xf32>,
        %max3A_400 = arith.maximumf %while3A_364, %get3A_399 : vector<16xf32>
        %get3A_401 = arith.index_cast %while3A_357 : i32 to index
        %get3A_402 = arith.constant 112 : index
        %get3A_403 = tpu.vector_load %arg7[%get3A_401, %get3A_402] {strides = array<i32>} : memref<144x256xf32, #tpu.memory_space<vmem>>, vector<16xf32>,
        %max3A_404 = arith.maximumf %while3A_365, %get3A_403 : vector<16xf32>
        %get3A_405 = arith.index_cast %while3A_357 : i32 to index
        %get3A_406 = arith.constant 128 : index
        %get3A_407 = tpu.vector_load %arg7[%get3A_405, %get3A_406] {strides = array<i32>} : memref<144x256xf32, #tpu.memory_space<vmem>>, vector<16xf32>,
        %max3A_408 = arith.maximumf %while3A_366, %get3A_407 : vector<16xf32>
        %get3A_409 = arith.index_cast %while3A_357 : i32 to index
        %get3A_410 = arith.constant 144 : index
        %get3A_411 = tpu.vector_load %arg7[%get3A_409, %get3A_410] {strides = array<i32>} : memref<144x256xf32, #tpu.memory_space<vmem>>, vector<16xf32>,
        %max3A_412 = arith.maximumf %while3A_367, %get3A_411 : vector<16xf32>
        %get3A_413 = arith.index_cast %while3A_357 : i32 to index
        %get3A_414 = arith.constant 160 : index
        %get3A_415 = tpu.vector_load %arg7[%get3A_413, %get3A_414] {strides = array<i32>} : memref<144x256xf32, #tpu.memory_space<vmem>>, vector<16xf32>,
        %max3A_416 = arith.maximumf %while3A_368, %get3A_415 : vector<16xf32>
        %get3A_417 = arith.index_cast %while3A_357 : i32 to index
        %get3A_418 = arith.constant 176 : index
        %get3A_419 = tpu.vector_load %arg7[%get3A_417, %get3A_418] {strides = array<i32>} : memref<144x256xf32, #tpu.memory_space<vmem>>, vector<16xf32>,
        %max3A_420 = arith.maximumf %while3A_369, %get3A_419 : vector<16xf32>
        %get3A_421 = arith.index_cast %while3A_357 : i32 to index
        %get3A_422 = arith.constant 192 : index
        %get3A_423 = tpu.vector_load %arg7[%get3A_421, %get3A_422] {strides = array<i32>} : memref<144x256xf32, #tpu.memory_space<vmem>>, vector<16xf32>,
        %max3A_424 = arith.maximumf %while3A_370, %get3A_423 : vector<16xf32>
        %get3A_425 = arith.index_cast %while3A_357 : i32 to index
        %get3A_426 = arith.constant 208 : index
        %get3A_427 = tpu.vector_load %arg7[%get3A_425, %get3A_426] {strides = array<i32>} : memref<144x256xf32, #tpu.memory_space<vmem>>, vector<16xf32>,
        %max3A_428 = arith.maximumf %while3A_371, %get3A_427 : vector<16xf32>
        %get3A_429 = arith.index_cast %while3A_357 : i32 to index
        %get3A_430 = arith.constant 224 : index
        %get3A_431 = tpu.vector_load %arg7[%get3A_429, %get3A_430] {strides = array<i32>} : memref<144x256xf32, #tpu.memory_space<vmem>>, vector<16xf32>,
        %max3A_432 = arith.maximumf %while3A_372, %get3A_431 : vector<16xf32>
        %get3A_433 = arith.index_cast %while3A_357 : i32 to index
        %get3A_434 = arith.constant 240 : index
        %get3A_435 = tpu.vector_load %arg7[%get3A_433, %get3A_434] {strides = array<i32>} : memref<144x256xf32, #tpu.memory_space<vmem>>, vector<16xf32>,
        %max3A_436 = arith.maximumf %while3A_373, %get3A_435 : vector<16xf32>
        scf.yield %max3A_376, %max3A_380, %max3A_384, %max3A_388, %max3A_392, %max3A_396, %max3A_400, %max3A_404, %max3A_408, %max3A_412, %max3A_416, %max3A_420, %max3A_424, %max3A_428, %max3A_432, %max3A_436 : vector<16xf32>, vector<16xf32>, vector<16xf32>, vector<16xf32>, vector<16xf32>, vector<16xf32>, vector<16xf32>, vector<16xf32>, vector<16xf32>, vector<16xf32>, vector<16xf32>, vector<16xf32>, vector<16xf32>, vector<16xf32>, vector<16xf32>, vector<16xf32>
      }
      %while3A_284 = arith.constant 1 : i32
      %while3A_285:16 = scf.for %while3A_357 = %while3A_281 to %while3A_277 step %while3A_284 iter_args(%while3A_358 = %while3A_283#0, %while3A_359 = %while3A_283#1, %while3A_360 = %while3A_283#2, %while3A_361 = %while3A_283#3, %while3A_362 = %while3A_283#4, %while3A_363 = %while3A_283#5, %while3A_364 = %while3A_283#6, %while3A_365 = %while3A_283#7, %while3A_366 = %while3A_283#8, %while3A_367 = %while3A_283#9, %while3A_368 = %while3A_283#10, %while3A_369 = %while3A_283#11, %while3A_370 = %while3A_283#12, %while3A_371 = %while3A_283#13, %while3A_372 = %while3A_283#14, %while3A_373 = %while3A_283#15) -> (vector<16xf32>, vector<16xf32>, vector<16xf32>, vector<16xf32>, vector<16xf32>, vector<16xf32>, vector<16xf32>, vector<16xf32>, vector<16xf32>, vector<16xf32>, vector<16xf32>, vector<16xf32>, vector<16xf32>, vector<16xf32>, vector<16xf32>, vector<16xf32>)  : i32 {
        %get3A = arith.index_cast %while3A_357 : i32 to index
        %get3A_374 = arith.constant 0 : index
        %get3A_375 = tpu.vector_load %arg7[%get3A, %get3A_374] {strides = array<i32>} : memref<144x256xf32, #tpu.memory_space<vmem>>, vector<16xf32>,
        %max3A_376 = arith.maximumf %while3A_358, %get3A_375 : vector<16xf32>
        %get3A_377 = arith.index_cast %while3A_357 : i32 to index
        %get3A_378 = arith.constant 16 : index
        %get3A_379 = tpu.vector_load %arg7[%get3A_377, %get3A_378] {strides = array<i32>} : memref<144x256xf32, #tpu.memory_space<vmem>>, vector<16xf32>,
        %max3A_380 = arith.maximumf %while3A_359, %get3A_379 : vector<16xf32>
        %get3A_381 = arith.index_cast %while3A_357 : i32 to index
        %get3A_382 = arith.constant 32 : index
        %get3A_383 = tpu.vector_load %arg7[%get3A_381, %get3A_382] {strides = array<i32>} : memref<144x256xf32, #tpu.memory_space<vmem>>, vector<16xf32>,
        %max3A_384 = arith.maximumf %while3A_360, %get3A_383 : vector<16xf32>
        %get3A_385 = arith.index_cast %while3A_357 : i32 to index
        %get3A_386 = arith.constant 48 : index
        %get3A_387 = tpu.vector_load %arg7[%get3A_385, %get3A_386] {strides = array<i32>} : memref<144x256xf32, #tpu.memory_space<vmem>>, vector<16xf32>,
        %max3A_388 = arith.maximumf %while3A_361, %get3A_387 : vector<16xf32>
        %get3A_389 = arith.index_cast %while3A_357 : i32 to index
        %get3A_390 = arith.constant 64 : index
        %get3A_391 = tpu.vector_load %arg7[%get3A_389, %get3A_390] {strides = array<i32>} : memref<144x256xf32, #tpu.memory_space<vmem>>, vector<16xf32>,
        %max3A_392 = arith.maximumf %while3A_362, %get3A_391 : vector<16xf32>
        %get3A_393 = arith.index_cast %while3A_357 : i32 to index
        %get3A_394 = arith.constant 80 : index
        %get3A_395 = tpu.vector_load %arg7[%get3A_393, %get3A_394] {strides = array<i32>} : memref<144x256xf32, #tpu.memory_space<vmem>>, vector<16xf32>,
        %max3A_396 = arith.maximumf %while3A_363, %get3A_395 : vector<16xf32>
        %get3A_397 = arith.index_cast %while3A_357 : i32 to index
        %get3A_398 = arith.constant 96 : index
        %get3A_399 = tpu.vector_load %arg7[%get3A_397, %get3A_398] {strides = array<i32>} : memref<144x256xf32, #tpu.memory_space<vmem>>, vector<16xf32>,
        %max3A_400 = arith.maximumf %while3A_364, %get3A_399 : vector<16xf32>
        %get3A_401 = arith.index_cast %while3A_357 : i32 to index
        %get3A_402 = arith.constant 112 : index
        %get3A_403 = tpu.vector_load %arg7[%get3A_401, %get3A_402] {strides = array<i32>} : memref<144x256xf32, #tpu.memory_space<vmem>>, vector<16xf32>,
        %max3A_404 = arith.maximumf %while3A_365, %get3A_403 : vector<16xf32>
        %get3A_405 = arith.index_cast %while3A_357 : i32 to index
        %get3A_406 = arith.constant 128 : index
        %get3A_407 = tpu.vector_load %arg7[%get3A_405, %get3A_406] {strides = array<i32>} : memref<144x256xf32, #tpu.memory_space<vmem>>, vector<16xf32>,
        %max3A_408 = arith.maximumf %while3A_366, %get3A_407 : vector<16xf32>
        %get3A_409 = arith.index_cast %while3A_357 : i32 to index
        %get3A_410 = arith.constant 144 : index
        %get3A_411 = tpu.vector_load %arg7[%get3A_409, %get3A_410] {strides = array<i32>} : memref<144x256xf32, #tpu.memory_space<vmem>>, vector<16xf32>,
        %max3A_412 = arith.maximumf %while3A_367, %get3A_411 : vector<16xf32>
        %get3A_413 = arith.index_cast %while3A_357 : i32 to index
        %get3A_414 = arith.constant 160 : index
        %get3A_415 = tpu.vector_load %arg7[%get3A_413, %get3A_414] {strides = array<i32>} : memref<144x256xf32, #tpu.memory_space<vmem>>, vector<16xf32>,
        %max3A_416 = arith.maximumf %while3A_368, %get3A_415 : vector<16xf32>
        %get3A_417 = arith.index_cast %while3A_357 : i32 to index
        %get3A_418 = arith.constant 176 : index
        %get3A_419 = tpu.vector_load %arg7[%get3A_417, %get3A_418] {strides = array<i32>} : memref<144x256xf32, #tpu.memory_space<vmem>>, vector<16xf32>,
        %max3A_420 = arith.maximumf %while3A_369, %get3A_419 : vector<16xf32>
        %get3A_421 = arith.index_cast %while3A_357 : i32 to index
        %get3A_422 = arith.constant 192 : index
        %get3A_423 = tpu.vector_load %arg7[%get3A_421, %get3A_422] {strides = array<i32>} : memref<144x256xf32, #tpu.memory_space<vmem>>, vector<16xf32>,
        %max3A_424 = arith.maximumf %while3A_370, %get3A_423 : vector<16xf32>
        %get3A_425 = arith.index_cast %while3A_357 : i32 to index
        %get3A_426 = arith.constant 208 : index
        %get3A_427 = tpu.vector_load %arg7[%get3A_425, %get3A_426] {strides = array<i32>} : memref<144x256xf32, #tpu.memory_space<vmem>>, vector<16xf32>,
        %max3A_428 = arith.maximumf %while3A_371, %get3A_427 : vector<16xf32>
        %get3A_429 = arith.index_cast %while3A_357 : i32 to index
        %get3A_430 = arith.constant 224 : index
        %get3A_431 = tpu.vector_load %arg7[%get3A_429, %get3A_430] {strides = array<i32>} : memref<144x256xf32, #tpu.memory_space<vmem>>, vector<16xf32>,
        %max3A_432 = arith.maximumf %while3A_372, %get3A_431 : vector<16xf32>
        %get3A_433 = arith.index_cast %while3A_357 : i32 to index
        %get3A_434 = arith.constant 240 : index
        %get3A_435 = tpu.vector_load %arg7[%get3A_433, %get3A_434] {strides = array<i32>} : memref<144x256xf32, #tpu.memory_space<vmem>>, vector<16xf32>,
        %max3A_436 = arith.maximumf %while3A_373, %get3A_435 : vector<16xf32>
        scf.yield %max3A_376, %max3A_380, %max3A_384, %max3A_388, %max3A_392, %max3A_396, %max3A_400, %max3A_404, %max3A_408, %max3A_412, %max3A_416, %max3A_420, %max3A_424, %max3A_428, %max3A_432, %max3A_436 : vector<16xf32>, vector<16xf32>, vector<16xf32>, vector<16xf32>, vector<16xf32>, vector<16xf32>, vector<16xf32>, vector<16xf32>, vector<16xf32>, vector<16xf32>, vector<16xf32>, vector<16xf32>, vector<16xf32>, vector<16xf32>, vector<16xf32>, vector<16xf32>
      }
      %add3A_286 = arith.constant 2 : i32
      %add3A_287 = arith.addi %mul3A_234, %add3A_286 : i32
      %lt3A_288 = arith.cmpi slt, %add3A_287, %select_n3A_85 : i32
      %convert_element_type3A_289 = arith.extui %lt3A_288 : i1 to i32
      %cond3A_290 = arith.constant 0 : i32
      %cond3A_291 = arith.cmpi ne, %convert_element_type3A_289, %cond3A_290 : i32
      scf.if %cond3A_291 {
        %add3A_357 = arith.constant 2 : i32
        %add3A_358 = arith.addi %mul3A_234, %add3A_357 : i32
        %mul3A_359 = arith.constant 144 : i32
        %mul3A_360 = arith.muli %add3A_358, %mul3A_359 : i32
        %add3A_361 = arith.addi %and3A_57, %mul3A_360 : i32
        %sub3A_362 = arith.constant 144 : i32
        %sub3A_363 = arith.subi %and3A_61, %sub3A_362 : i32
        %min3A_364 = arith.minsi %add3A_361, %sub3A_363 : i32
        %max3A_365 = arith.constant 0 : i32
        %max3A_366 = arith.maxsi %max3A_365, %min3A_364 : i32
        %multiple_of3A_367 = tpu.assume_multiple %max3A_366, 8 : i32
        %dma_start3A = arith.constant 0 : i32
        %dma_start3A_368 = tpu.memref_slice %arg2[%multiple_of3A_367, %dma_start3A] : memref<50000x256xf32, #tpu.memory_space<hbm>> -> memref<144x256xf32, #tpu.memory_space<hbm>>
        %dma_start3A_369 = arith.constant 0 : i32
        %dma_start3A_370 = tpu.memref_slice %arg2[%multiple_of3A_367, %dma_start3A_369] : memref<50000x256xf32, #tpu.memory_space<hbm>> -> memref<144x256xf32, #tpu.memory_space<hbm>>
        tpu.enqueue_dma source(%dma_start3A_370 : memref<144x256xf32, #tpu.memory_space<hbm>>) target(%arg7 : memref<144x256xf32, #tpu.memory_space<vmem>>) target_semaphore(%arg10 : memref<!tpu.dma_semaphore, #tpu.memory_space<semaphore_mem>>)
      } else {
      }
      %mul3A_292 = arith.constant 2 : i32
      %mul3A_293 = arith.muli %mul3A_292, %while3A_200 : i32
      %add3A_294 = arith.constant 1 : i32
      %add3A_295 = arith.addi %mul3A_293, %add3A_294 : i32
      %lt3A_296 = arith.cmpi slt, %add3A_295, %select_n3A_85 : i32
      %convert_element_type3A_297 = arith.extui %lt3A_296 : i1 to i32
      %cond3A_298 = arith.constant 0 : i32
      %cond3A_299 = arith.cmpi ne, %convert_element_type3A_297, %cond3A_298 : i32
      scf.if %cond3A_299 {
        %mul3A_357 = arith.constant 144 : i32
        %mul3A_358 = arith.muli %add3A_295, %mul3A_357 : i32
        %add3A_359 = arith.addi %and3A_57, %mul3A_358 : i32
        %sub3A_360 = arith.constant 144 : i32
        %sub3A_361 = arith.subi %and3A_61, %sub3A_360 : i32
        %min3A_362 = arith.minsi %add3A_359, %sub3A_361 : i32
        %max3A_363 = arith.constant 0 : i32
        %max3A_364 = arith.maxsi %max3A_363, %min3A_362 : i32
        %multiple_of3A_365 = tpu.assume_multiple %max3A_364, 8 : i32
        %dma_wait3A = arith.constant 0 : i32
        %dma_wait3A_366 = tpu.memref_slice %arg2[%multiple_of3A_365, %dma_wait3A] : memref<50000x256xf32, #tpu.memory_space<hbm>> -> memref<144x256xf32, #tpu.memory_space<hbm>>
        %dma_wait3A_367 = arith.constant 0 : i32
        %dma_wait3A_368 = tpu.memref_slice %arg2[%multiple_of3A_365, %dma_wait3A_367] : memref<50000x256xf32, #tpu.memory_space<hbm>> -> memref<144x256xf32, #tpu.memory_space<hbm>>
        tpu.wait_dma2 semaphore(%arg11 : memref<!tpu.dma_semaphore, #tpu.memory_space<semaphore_mem>>) src(%dma_wait3A_368 : memref<144x256xf32, #tpu.memory_space<hbm>>) dst(%arg8 : memref<144x256xf32, #tpu.memory_space<vmem>>)
      } else {
      }
      %lt3A_300 = arith.cmpi slt, %add3A_295, %select_n3A_85 : i32
      %mul3A_301 = arith.constant 144 : i32
      %mul3A_302 = arith.muli %add3A_295, %mul3A_301 : i32
      %add3A_303 = arith.addi %and3A_57, %mul3A_302 : i32
      %sub3A_304 = arith.constant 144 : i32
      %sub3A_305 = arith.subi %and3A_61, %sub3A_304 : i32
      %min3A_306 = arith.minsi %add3A_303, %sub3A_305 : i32
      %max3A_307 = arith.constant 0 : i32
      %max3A_308 = arith.maxsi %max3A_307, %min3A_306 : i32
      %multiple_of3A_309 = tpu.assume_multiple %max3A_308, 8 : i32
      %sub3A_310 = arith.subi %reduce_max3A_26, %multiple_of3A_309 : i32
      %jit3A_311 = arith.constant 0 : i32
      %jit3A_312 = arith.constant 144 : i32
      %max3A_313 = arith.maxsi %jit3A_311, %sub3A_310 : i32
      %min3A_314 = arith.minsi %jit3A_312, %max3A_313 : i32
      %jit3A_315 = arith.constant 0 : i32
      %select_n3A_316 = arith.select %lt3A_300, %min3A_314, %jit3A_315 : i32
      %sub3A_317 = arith.subi %reduce_max3A_41, %multiple_of3A_309 : i32
      %jit3A_318 = arith.constant 0 : i32
      %jit3A_319 = arith.constant 144 : i32
      %max3A_320 = arith.maxsi %jit3A_318, %sub3A_317 : i32
      %min3A_321 = arith.minsi %jit3A_319, %max3A_320 : i32
      %jit3A_322 = arith.constant 0 : i32
      %select_n3A_323 = arith.select %lt3A_300, %min3A_321, %jit3A_322 : i32
      %sub3A_324 = arith.subi %reduce_max3A_56, %multiple_of3A_309 : i32
      %jit3A_325 = arith.constant 0 : i32
      %jit3A_326 = arith.constant 144 : i32
      %max3A_327 = arith.maxsi %jit3A_325, %sub3A_324 : i32
      %min3A_328 = arith.minsi %jit3A_326, %max3A_327 : i32
      %jit3A_329 = arith.constant 0 : i32
      %select_n3A_330 = arith.select %lt3A_300, %min3A_328, %jit3A_329 : i32
      %while3A_331 = arith.subi %select_n3A_323, %select_n3A_316 : i32
      %while3A_332 = arith.addi %select_n3A_316, %while3A_331 : i32
      %while3A_333 = arith.constant 1 : i32
      %while3A_334 = arith.divsi %while3A_331, %while3A_333 : i32
      %while3A_335 = arith.muli %while3A_334, %while3A_333 : i32
      %while3A_336 = arith.addi %select_n3A_316, %while3A_335 : i32
      %while3A_337 = arith.constant 1 : i32
      %while3A_338:16 = scf.for %while3A_357 = %select_n3A_316 to %while3A_336 step %while3A_337 iter_args(%while3A_358 = %while3A_275#0, %while3A_359 = %while3A_275#1, %while3A_360 = %while3A_275#2, %while3A_361 = %while3A_275#3, %while3A_362 = %while3A_275#4, %while3A_363 = %while3A_275#5, %while3A_364 = %while3A_275#6, %while3A_365 = %while3A_275#7, %while3A_366 = %while3A_275#8, %while3A_367 = %while3A_275#9, %while3A_368 = %while3A_275#10, %while3A_369 = %while3A_275#11, %while3A_370 = %while3A_275#12, %while3A_371 = %while3A_275#13, %while3A_372 = %while3A_275#14, %while3A_373 = %while3A_275#15) -> (vector<16xf32>, vector<16xf32>, vector<16xf32>, vector<16xf32>, vector<16xf32>, vector<16xf32>, vector<16xf32>, vector<16xf32>, vector<16xf32>, vector<16xf32>, vector<16xf32>, vector<16xf32>, vector<16xf32>, vector<16xf32>, vector<16xf32>, vector<16xf32>)  : i32 {
        %get3A = arith.index_cast %while3A_357 : i32 to index
        %get3A_374 = arith.constant 0 : index
        %get3A_375 = tpu.vector_load %arg8[%get3A, %get3A_374] {strides = array<i32>} : memref<144x256xf32, #tpu.memory_space<vmem>>, vector<16xf32>,
        %max3A_376 = arith.maximumf %while3A_358, %get3A_375 : vector<16xf32>
        %get3A_377 = arith.index_cast %while3A_357 : i32 to index
        %get3A_378 = arith.constant 16 : index
        %get3A_379 = tpu.vector_load %arg8[%get3A_377, %get3A_378] {strides = array<i32>} : memref<144x256xf32, #tpu.memory_space<vmem>>, vector<16xf32>,
        %max3A_380 = arith.maximumf %while3A_359, %get3A_379 : vector<16xf32>
        %get3A_381 = arith.index_cast %while3A_357 : i32 to index
        %get3A_382 = arith.constant 32 : index
        %get3A_383 = tpu.vector_load %arg8[%get3A_381, %get3A_382] {strides = array<i32>} : memref<144x256xf32, #tpu.memory_space<vmem>>, vector<16xf32>,
        %max3A_384 = arith.maximumf %while3A_360, %get3A_383 : vector<16xf32>
        %get3A_385 = arith.index_cast %while3A_357 : i32 to index
        %get3A_386 = arith.constant 48 : index
        %get3A_387 = tpu.vector_load %arg8[%get3A_385, %get3A_386] {strides = array<i32>} : memref<144x256xf32, #tpu.memory_space<vmem>>, vector<16xf32>,
        %max3A_388 = arith.maximumf %while3A_361, %get3A_387 : vector<16xf32>
        %get3A_389 = arith.index_cast %while3A_357 : i32 to index
        %get3A_390 = arith.constant 64 : index
        %get3A_391 = tpu.vector_load %arg8[%get3A_389, %get3A_390] {strides = array<i32>} : memref<144x256xf32, #tpu.memory_space<vmem>>, vector<16xf32>,
        %max3A_392 = arith.maximumf %while3A_362, %get3A_391 : vector<16xf32>
        %get3A_393 = arith.index_cast %while3A_357 : i32 to index
        %get3A_394 = arith.constant 80 : index
        %get3A_395 = tpu.vector_load %arg8[%get3A_393, %get3A_394] {strides = array<i32>} : memref<144x256xf32, #tpu.memory_space<vmem>>, vector<16xf32>,
        %max3A_396 = arith.maximumf %while3A_363, %get3A_395 : vector<16xf32>
        %get3A_397 = arith.index_cast %while3A_357 : i32 to index
        %get3A_398 = arith.constant 96 : index
        %get3A_399 = tpu.vector_load %arg8[%get3A_397, %get3A_398] {strides = array<i32>} : memref<144x256xf32, #tpu.memory_space<vmem>>, vector<16xf32>,
        %max3A_400 = arith.maximumf %while3A_364, %get3A_399 : vector<16xf32>
        %get3A_401 = arith.index_cast %while3A_357 : i32 to index
        %get3A_402 = arith.constant 112 : index
        %get3A_403 = tpu.vector_load %arg8[%get3A_401, %get3A_402] {strides = array<i32>} : memref<144x256xf32, #tpu.memory_space<vmem>>, vector<16xf32>,
        %max3A_404 = arith.maximumf %while3A_365, %get3A_403 : vector<16xf32>
        %get3A_405 = arith.index_cast %while3A_357 : i32 to index
        %get3A_406 = arith.constant 128 : index
        %get3A_407 = tpu.vector_load %arg8[%get3A_405, %get3A_406] {strides = array<i32>} : memref<144x256xf32, #tpu.memory_space<vmem>>, vector<16xf32>,
        %max3A_408 = arith.maximumf %while3A_366, %get3A_407 : vector<16xf32>
        %get3A_409 = arith.index_cast %while3A_357 : i32 to index
        %get3A_410 = arith.constant 144 : index
        %get3A_411 = tpu.vector_load %arg8[%get3A_409, %get3A_410] {strides = array<i32>} : memref<144x256xf32, #tpu.memory_space<vmem>>, vector<16xf32>,
        %max3A_412 = arith.maximumf %while3A_367, %get3A_411 : vector<16xf32>
        %get3A_413 = arith.index_cast %while3A_357 : i32 to index
        %get3A_414 = arith.constant 160 : index
        %get3A_415 = tpu.vector_load %arg8[%get3A_413, %get3A_414] {strides = array<i32>} : memref<144x256xf32, #tpu.memory_space<vmem>>, vector<16xf32>,
        %max3A_416 = arith.maximumf %while3A_368, %get3A_415 : vector<16xf32>
        %get3A_417 = arith.index_cast %while3A_357 : i32 to index
        %get3A_418 = arith.constant 176 : index
        %get3A_419 = tpu.vector_load %arg8[%get3A_417, %get3A_418] {strides = array<i32>} : memref<144x256xf32, #tpu.memory_space<vmem>>, vector<16xf32>,
        %max3A_420 = arith.maximumf %while3A_369, %get3A_419 : vector<16xf32>
        %get3A_421 = arith.index_cast %while3A_357 : i32 to index
        %get3A_422 = arith.constant 192 : index
        %get3A_423 = tpu.vector_load %arg8[%get3A_421, %get3A_422] {strides = array<i32>} : memref<144x256xf32, #tpu.memory_space<vmem>>, vector<16xf32>,
        %max3A_424 = arith.maximumf %while3A_370, %get3A_423 : vector<16xf32>
        %get3A_425 = arith.index_cast %while3A_357 : i32 to index
        %get3A_426 = arith.constant 208 : index
        %get3A_427 = tpu.vector_load %arg8[%get3A_425, %get3A_426] {strides = array<i32>} : memref<144x256xf32, #tpu.memory_space<vmem>>, vector<16xf32>,
        %max3A_428 = arith.maximumf %while3A_371, %get3A_427 : vector<16xf32>
        %get3A_429 = arith.index_cast %while3A_357 : i32 to index
        %get3A_430 = arith.constant 224 : index
        %get3A_431 = tpu.vector_load %arg8[%get3A_429, %get3A_430] {strides = array<i32>} : memref<144x256xf32, #tpu.memory_space<vmem>>, vector<16xf32>,
        %max3A_432 = arith.maximumf %while3A_372, %get3A_431 : vector<16xf32>
        %get3A_433 = arith.index_cast %while3A_357 : i32 to index
        %get3A_434 = arith.constant 240 : index
        %get3A_435 = tpu.vector_load %arg8[%get3A_433, %get3A_434] {strides = array<i32>} : memref<144x256xf32, #tpu.memory_space<vmem>>, vector<16xf32>,
        %max3A_436 = arith.maximumf %while3A_373, %get3A_435 : vector<16xf32>
        scf.yield %max3A_376, %max3A_380, %max3A_384, %max3A_388, %max3A_392, %max3A_396, %max3A_400, %max3A_404, %max3A_408, %max3A_412, %max3A_416, %max3A_420, %max3A_424, %max3A_428, %max3A_432, %max3A_436 : vector<16xf32>, vector<16xf32>, vector<16xf32>, vector<16xf32>, vector<16xf32>, vector<16xf32>, vector<16xf32>, vector<16xf32>, vector<16xf32>, vector<16xf32>, vector<16xf32>, vector<16xf32>, vector<16xf32>, vector<16xf32>, vector<16xf32>, vector<16xf32>
      }
      %while3A_339 = arith.constant 1 : i32
      %while3A_340:16 = scf.for %while3A_357 = %while3A_336 to %while3A_332 step %while3A_339 iter_args(%while3A_358 = %while3A_338#0, %while3A_359 = %while3A_338#1, %while3A_360 = %while3A_338#2, %while3A_361 = %while3A_338#3, %while3A_362 = %while3A_338#4, %while3A_363 = %while3A_338#5, %while3A_364 = %while3A_338#6, %while3A_365 = %while3A_338#7, %while3A_366 = %while3A_338#8, %while3A_367 = %while3A_338#9, %while3A_368 = %while3A_338#10, %while3A_369 = %while3A_338#11, %while3A_370 = %while3A_338#12, %while3A_371 = %while3A_338#13, %while3A_372 = %while3A_338#14, %while3A_373 = %while3A_338#15) -> (vector<16xf32>, vector<16xf32>, vector<16xf32>, vector<16xf32>, vector<16xf32>, vector<16xf32>, vector<16xf32>, vector<16xf32>, vector<16xf32>, vector<16xf32>, vector<16xf32>, vector<16xf32>, vector<16xf32>, vector<16xf32>, vector<16xf32>, vector<16xf32>)  : i32 {
        %get3A = arith.index_cast %while3A_357 : i32 to index
        %get3A_374 = arith.constant 0 : index
        %get3A_375 = tpu.vector_load %arg8[%get3A, %get3A_374] {strides = array<i32>} : memref<144x256xf32, #tpu.memory_space<vmem>>, vector<16xf32>,
        %max3A_376 = arith.maximumf %while3A_358, %get3A_375 : vector<16xf32>
        %get3A_377 = arith.index_cast %while3A_357 : i32 to index
        %get3A_378 = arith.constant 16 : index
        %get3A_379 = tpu.vector_load %arg8[%get3A_377, %get3A_378] {strides = array<i32>} : memref<144x256xf32, #tpu.memory_space<vmem>>, vector<16xf32>,
        %max3A_380 = arith.maximumf %while3A_359, %get3A_379 : vector<16xf32>
        %get3A_381 = arith.index_cast %while3A_357 : i32 to index
        %get3A_382 = arith.constant 32 : index
        %get3A_383 = tpu.vector_load %arg8[%get3A_381, %get3A_382] {strides = array<i32>} : memref<144x256xf32, #tpu.memory_space<vmem>>, vector<16xf32>,
        %max3A_384 = arith.maximumf %while3A_360, %get3A_383 : vector<16xf32>
        %get3A_385 = arith.index_cast %while3A_357 : i32 to index
        %get3A_386 = arith.constant 48 : index
        %get3A_387 = tpu.vector_load %arg8[%get3A_385, %get3A_386] {strides = array<i32>} : memref<144x256xf32, #tpu.memory_space<vmem>>, vector<16xf32>,
        %max3A_388 = arith.maximumf %while3A_361, %get3A_387 : vector<16xf32>
        %get3A_389 = arith.index_cast %while3A_357 : i32 to index
        %get3A_390 = arith.constant 64 : index
        %get3A_391 = tpu.vector_load %arg8[%get3A_389, %get3A_390] {strides = array<i32>} : memref<144x256xf32, #tpu.memory_space<vmem>>, vector<16xf32>,
        %max3A_392 = arith.maximumf %while3A_362, %get3A_391 : vector<16xf32>
        %get3A_393 = arith.index_cast %while3A_357 : i32 to index
        %get3A_394 = arith.constant 80 : index
        %get3A_395 = tpu.vector_load %arg8[%get3A_393, %get3A_394] {strides = array<i32>} : memref<144x256xf32, #tpu.memory_space<vmem>>, vector<16xf32>,
        %max3A_396 = arith.maximumf %while3A_363, %get3A_395 : vector<16xf32>
        %get3A_397 = arith.index_cast %while3A_357 : i32 to index
        %get3A_398 = arith.constant 96 : index
        %get3A_399 = tpu.vector_load %arg8[%get3A_397, %get3A_398] {strides = array<i32>} : memref<144x256xf32, #tpu.memory_space<vmem>>, vector<16xf32>,
        %max3A_400 = arith.maximumf %while3A_364, %get3A_399 : vector<16xf32>
        %get3A_401 = arith.index_cast %while3A_357 : i32 to index
        %get3A_402 = arith.constant 112 : index
        %get3A_403 = tpu.vector_load %arg8[%get3A_401, %get3A_402] {strides = array<i32>} : memref<144x256xf32, #tpu.memory_space<vmem>>, vector<16xf32>,
        %max3A_404 = arith.maximumf %while3A_365, %get3A_403 : vector<16xf32>
        %get3A_405 = arith.index_cast %while3A_357 : i32 to index
        %get3A_406 = arith.constant 128 : index
        %get3A_407 = tpu.vector_load %arg8[%get3A_405, %get3A_406] {strides = array<i32>} : memref<144x256xf32, #tpu.memory_space<vmem>>, vector<16xf32>,
        %max3A_408 = arith.maximumf %while3A_366, %get3A_407 : vector<16xf32>
        %get3A_409 = arith.index_cast %while3A_357 : i32 to index
        %get3A_410 = arith.constant 144 : index
        %get3A_411 = tpu.vector_load %arg8[%get3A_409, %get3A_410] {strides = array<i32>} : memref<144x256xf32, #tpu.memory_space<vmem>>, vector<16xf32>,
        %max3A_412 = arith.maximumf %while3A_367, %get3A_411 : vector<16xf32>
        %get3A_413 = arith.index_cast %while3A_357 : i32 to index
        %get3A_414 = arith.constant 160 : index
        %get3A_415 = tpu.vector_load %arg8[%get3A_413, %get3A_414] {strides = array<i32>} : memref<144x256xf32, #tpu.memory_space<vmem>>, vector<16xf32>,
        %max3A_416 = arith.maximumf %while3A_368, %get3A_415 : vector<16xf32>
        %get3A_417 = arith.index_cast %while3A_357 : i32 to index
        %get3A_418 = arith.constant 176 : index
        %get3A_419 = tpu.vector_load %arg8[%get3A_417, %get3A_418] {strides = array<i32>} : memref<144x256xf32, #tpu.memory_space<vmem>>, vector<16xf32>,
        %max3A_420 = arith.maximumf %while3A_369, %get3A_419 : vector<16xf32>
        %get3A_421 = arith.index_cast %while3A_357 : i32 to index
        %get3A_422 = arith.constant 192 : index
        %get3A_423 = tpu.vector_load %arg8[%get3A_421, %get3A_422] {strides = array<i32>} : memref<144x256xf32, #tpu.memory_space<vmem>>, vector<16xf32>,
        %max3A_424 = arith.maximumf %while3A_370, %get3A_423 : vector<16xf32>
        %get3A_425 = arith.index_cast %while3A_357 : i32 to index
        %get3A_426 = arith.constant 208 : index
        %get3A_427 = tpu.vector_load %arg8[%get3A_425, %get3A_426] {strides = array<i32>} : memref<144x256xf32, #tpu.memory_space<vmem>>, vector<16xf32>,
        %max3A_428 = arith.maximumf %while3A_371, %get3A_427 : vector<16xf32>
        %get3A_429 = arith.index_cast %while3A_357 : i32 to index
        %get3A_430 = arith.constant 224 : index
        %get3A_431 = tpu.vector_load %arg8[%get3A_429, %get3A_430] {strides = array<i32>} : memref<144x256xf32, #tpu.memory_space<vmem>>, vector<16xf32>,
        %max3A_432 = arith.maximumf %while3A_372, %get3A_431 : vector<16xf32>
        %get3A_433 = arith.index_cast %while3A_357 : i32 to index
        %get3A_434 = arith.constant 240 : index
        %get3A_435 = tpu.vector_load %arg8[%get3A_433, %get3A_434] {strides = array<i32>} : memref<144x256xf32, #tpu.memory_space<vmem>>, vector<16xf32>,
        %max3A_436 = arith.maximumf %while3A_373, %get3A_435 : vector<16xf32>
        scf.yield %max3A_376, %max3A_380, %max3A_384, %max3A_388, %max3A_392, %max3A_396, %max3A_400, %max3A_404, %max3A_408, %max3A_412, %max3A_416, %max3A_420, %max3A_424, %max3A_428, %max3A_432, %max3A_436 : vector<16xf32>, vector<16xf32>, vector<16xf32>, vector<16xf32>, vector<16xf32>, vector<16xf32>, vector<16xf32>, vector<16xf32>, vector<16xf32>, vector<16xf32>, vector<16xf32>, vector<16xf32>, vector<16xf32>, vector<16xf32>, vector<16xf32>, vector<16xf32>
      }
      %while3A_341 = arith.subi %select_n3A_330, %select_n3A_323 : i32
      %while3A_342 = arith.addi %select_n3A_323, %while3A_341 : i32
      %while3A_343 = arith.constant 1 : i32
      %while3A_344 = arith.divsi %while3A_341, %while3A_343 : i32
      %while3A_345 = arith.muli %while3A_344, %while3A_343 : i32
      %while3A_346 = arith.addi %select_n3A_323, %while3A_345 : i32
      %while3A_347 = arith.constant 1 : i32
      %while3A_348:16 = scf.for %while3A_357 = %select_n3A_323 to %while3A_346 step %while3A_347 iter_args(%while3A_358 = %while3A_285#0, %while3A_359 = %while3A_285#1, %while3A_360 = %while3A_285#2, %while3A_361 = %while3A_285#3, %while3A_362 = %while3A_285#4, %while3A_363 = %while3A_285#5, %while3A_364 = %while3A_285#6, %while3A_365 = %while3A_285#7, %while3A_366 = %while3A_285#8, %while3A_367 = %while3A_285#9, %while3A_368 = %while3A_285#10, %while3A_369 = %while3A_285#11, %while3A_370 = %while3A_285#12, %while3A_371 = %while3A_285#13, %while3A_372 = %while3A_285#14, %while3A_373 = %while3A_285#15) -> (vector<16xf32>, vector<16xf32>, vector<16xf32>, vector<16xf32>, vector<16xf32>, vector<16xf32>, vector<16xf32>, vector<16xf32>, vector<16xf32>, vector<16xf32>, vector<16xf32>, vector<16xf32>, vector<16xf32>, vector<16xf32>, vector<16xf32>, vector<16xf32>)  : i32 {
        %get3A = arith.index_cast %while3A_357 : i32 to index
        %get3A_374 = arith.constant 0 : index
        %get3A_375 = tpu.vector_load %arg8[%get3A, %get3A_374] {strides = array<i32>} : memref<144x256xf32, #tpu.memory_space<vmem>>, vector<16xf32>,
        %max3A_376 = arith.maximumf %while3A_358, %get3A_375 : vector<16xf32>
        %get3A_377 = arith.index_cast %while3A_357 : i32 to index
        %get3A_378 = arith.constant 16 : index
        %get3A_379 = tpu.vector_load %arg8[%get3A_377, %get3A_378] {strides = array<i32>} : memref<144x256xf32, #tpu.memory_space<vmem>>, vector<16xf32>,
        %max3A_380 = arith.maximumf %while3A_359, %get3A_379 : vector<16xf32>
        %get3A_381 = arith.index_cast %while3A_357 : i32 to index
        %get3A_382 = arith.constant 32 : index
        %get3A_383 = tpu.vector_load %arg8[%get3A_381, %get3A_382] {strides = array<i32>} : memref<144x256xf32, #tpu.memory_space<vmem>>, vector<16xf32>,
        %max3A_384 = arith.maximumf %while3A_360, %get3A_383 : vector<16xf32>
        %get3A_385 = arith.index_cast %while3A_357 : i32 to index
        %get3A_386 = arith.constant 48 : index
        %get3A_387 = tpu.vector_load %arg8[%get3A_385, %get3A_386] {strides = array<i32>} : memref<144x256xf32, #tpu.memory_space<vmem>>, vector<16xf32>,
        %max3A_388 = arith.maximumf %while3A_361, %get3A_387 : vector<16xf32>
        %get3A_389 = arith.index_cast %while3A_357 : i32 to index
        %get3A_390 = arith.constant 64 : index
        %get3A_391 = tpu.vector_load %arg8[%get3A_389, %get3A_390] {strides = array<i32>} : memref<144x256xf32, #tpu.memory_space<vmem>>, vector<16xf32>,
        %max3A_392 = arith.maximumf %while3A_362, %get3A_391 : vector<16xf32>
        %get3A_393 = arith.index_cast %while3A_357 : i32 to index
        %get3A_394 = arith.constant 80 : index
        %get3A_395 = tpu.vector_load %arg8[%get3A_393, %get3A_394] {strides = array<i32>} : memref<144x256xf32, #tpu.memory_space<vmem>>, vector<16xf32>,
        %max3A_396 = arith.maximumf %while3A_363, %get3A_395 : vector<16xf32>
        %get3A_397 = arith.index_cast %while3A_357 : i32 to index
        %get3A_398 = arith.constant 96 : index
        %get3A_399 = tpu.vector_load %arg8[%get3A_397, %get3A_398] {strides = array<i32>} : memref<144x256xf32, #tpu.memory_space<vmem>>, vector<16xf32>,
        %max3A_400 = arith.maximumf %while3A_364, %get3A_399 : vector<16xf32>
        %get3A_401 = arith.index_cast %while3A_357 : i32 to index
        %get3A_402 = arith.constant 112 : index
        %get3A_403 = tpu.vector_load %arg8[%get3A_401, %get3A_402] {strides = array<i32>} : memref<144x256xf32, #tpu.memory_space<vmem>>, vector<16xf32>,
        %max3A_404 = arith.maximumf %while3A_365, %get3A_403 : vector<16xf32>
        %get3A_405 = arith.index_cast %while3A_357 : i32 to index
        %get3A_406 = arith.constant 128 : index
        %get3A_407 = tpu.vector_load %arg8[%get3A_405, %get3A_406] {strides = array<i32>} : memref<144x256xf32, #tpu.memory_space<vmem>>, vector<16xf32>,
        %max3A_408 = arith.maximumf %while3A_366, %get3A_407 : vector<16xf32>
        %get3A_409 = arith.index_cast %while3A_357 : i32 to index
        %get3A_410 = arith.constant 144 : index
        %get3A_411 = tpu.vector_load %arg8[%get3A_409, %get3A_410] {strides = array<i32>} : memref<144x256xf32, #tpu.memory_space<vmem>>, vector<16xf32>,
        %max3A_412 = arith.maximumf %while3A_367, %get3A_411 : vector<16xf32>
        %get3A_413 = arith.index_cast %while3A_357 : i32 to index
        %get3A_414 = arith.constant 160 : index
        %get3A_415 = tpu.vector_load %arg8[%get3A_413, %get3A_414] {strides = array<i32>} : memref<144x256xf32, #tpu.memory_space<vmem>>, vector<16xf32>,
        %max3A_416 = arith.maximumf %while3A_368, %get3A_415 : vector<16xf32>
        %get3A_417 = arith.index_cast %while3A_357 : i32 to index
        %get3A_418 = arith.constant 176 : index
        %get3A_419 = tpu.vector_load %arg8[%get3A_417, %get3A_418] {strides = array<i32>} : memref<144x256xf32, #tpu.memory_space<vmem>>, vector<16xf32>,
        %max3A_420 = arith.maximumf %while3A_369, %get3A_419 : vector<16xf32>
        %get3A_421 = arith.index_cast %while3A_357 : i32 to index
        %get3A_422 = arith.constant 192 : index
        %get3A_423 = tpu.vector_load %arg8[%get3A_421, %get3A_422] {strides = array<i32>} : memref<144x256xf32, #tpu.memory_space<vmem>>, vector<16xf32>,
        %max3A_424 = arith.maximumf %while3A_370, %get3A_423 : vector<16xf32>
        %get3A_425 = arith.index_cast %while3A_357 : i32 to index
        %get3A_426 = arith.constant 208 : index
        %get3A_427 = tpu.vector_load %arg8[%get3A_425, %get3A_426] {strides = array<i32>} : memref<144x256xf32, #tpu.memory_space<vmem>>, vector<16xf32>,
        %max3A_428 = arith.maximumf %while3A_371, %get3A_427 : vector<16xf32>
        %get3A_429 = arith.index_cast %while3A_357 : i32 to index
        %get3A_430 = arith.constant 224 : index
        %get3A_431 = tpu.vector_load %arg8[%get3A_429, %get3A_430] {strides = array<i32>} : memref<144x256xf32, #tpu.memory_space<vmem>>, vector<16xf32>,
        %max3A_432 = arith.maximumf %while3A_372, %get3A_431 : vector<16xf32>
        %get3A_433 = arith.index_cast %while3A_357 : i32 to index
        %get3A_434 = arith.constant 240 : index
        %get3A_435 = tpu.vector_load %arg8[%get3A_433, %get3A_434] {strides = array<i32>} : memref<144x256xf32, #tpu.memory_space<vmem>>, vector<16xf32>,
        %max3A_436 = arith.maximumf %while3A_373, %get3A_435 : vector<16xf32>
        scf.yield %max3A_376, %max3A_380, %max3A_384, %max3A_388, %max3A_392, %max3A_396, %max3A_400, %max3A_404, %max3A_408, %max3A_412, %max3A_416, %max3A_420, %max3A_424, %max3A_428, %max3A_432, %max3A_436 : vector<16xf32>, vector<16xf32>, vector<16xf32>, vector<16xf32>, vector<16xf32>, vector<16xf32>, vector<16xf32>, vector<16xf32>, vector<16xf32>, vector<16xf32>, vector<16xf32>, vector<16xf32>, vector<16xf32>, vector<16xf32>, vector<16xf32>, vector<16xf32>
      }
      %while3A_349 = arith.constant 1 : i32
      %while3A_350:16 = scf.for %while3A_357 = %while3A_346 to %while3A_342 step %while3A_349 iter_args(%while3A_358 = %while3A_348#0, %while3A_359 = %while3A_348#1, %while3A_360 = %while3A_348#2, %while3A_361 = %while3A_348#3, %while3A_362 = %while3A_348#4, %while3A_363 = %while3A_348#5, %while3A_364 = %while3A_348#6, %while3A_365 = %while3A_348#7, %while3A_366 = %while3A_348#8, %while3A_367 = %while3A_348#9, %while3A_368 = %while3A_348#10, %while3A_369 = %while3A_348#11, %while3A_370 = %while3A_348#12, %while3A_371 = %while3A_348#13, %while3A_372 = %while3A_348#14, %while3A_373 = %while3A_348#15) -> (vector<16xf32>, vector<16xf32>, vector<16xf32>, vector<16xf32>, vector<16xf32>, vector<16xf32>, vector<16xf32>, vector<16xf32>, vector<16xf32>, vector<16xf32>, vector<16xf32>, vector<16xf32>, vector<16xf32>, vector<16xf32>, vector<16xf32>, vector<16xf32>)  : i32 {
        %get3A = arith.index_cast %while3A_357 : i32 to index
        %get3A_374 = arith.constant 0 : index
        %get3A_375 = tpu.vector_load %arg8[%get3A, %get3A_374] {strides = array<i32>} : memref<144x256xf32, #tpu.memory_space<vmem>>, vector<16xf32>,
        %max3A_376 = arith.maximumf %while3A_358, %get3A_375 : vector<16xf32>
        %get3A_377 = arith.index_cast %while3A_357 : i32 to index
        %get3A_378 = arith.constant 16 : index
        %get3A_379 = tpu.vector_load %arg8[%get3A_377, %get3A_378] {strides = array<i32>} : memref<144x256xf32, #tpu.memory_space<vmem>>, vector<16xf32>,
        %max3A_380 = arith.maximumf %while3A_359, %get3A_379 : vector<16xf32>
        %get3A_381 = arith.index_cast %while3A_357 : i32 to index
        %get3A_382 = arith.constant 32 : index
        %get3A_383 = tpu.vector_load %arg8[%get3A_381, %get3A_382] {strides = array<i32>} : memref<144x256xf32, #tpu.memory_space<vmem>>, vector<16xf32>,
        %max3A_384 = arith.maximumf %while3A_360, %get3A_383 : vector<16xf32>
        %get3A_385 = arith.index_cast %while3A_357 : i32 to index
        %get3A_386 = arith.constant 48 : index
        %get3A_387 = tpu.vector_load %arg8[%get3A_385, %get3A_386] {strides = array<i32>} : memref<144x256xf32, #tpu.memory_space<vmem>>, vector<16xf32>,
        %max3A_388 = arith.maximumf %while3A_361, %get3A_387 : vector<16xf32>
        %get3A_389 = arith.index_cast %while3A_357 : i32 to index
        %get3A_390 = arith.constant 64 : index
        %get3A_391 = tpu.vector_load %arg8[%get3A_389, %get3A_390] {strides = array<i32>} : memref<144x256xf32, #tpu.memory_space<vmem>>, vector<16xf32>,
        %max3A_392 = arith.maximumf %while3A_362, %get3A_391 : vector<16xf32>
        %get3A_393 = arith.index_cast %while3A_357 : i32 to index
        %get3A_394 = arith.constant 80 : index
        %get3A_395 = tpu.vector_load %arg8[%get3A_393, %get3A_394] {strides = array<i32>} : memref<144x256xf32, #tpu.memory_space<vmem>>, vector<16xf32>,
        %max3A_396 = arith.maximumf %while3A_363, %get3A_395 : vector<16xf32>
        %get3A_397 = arith.index_cast %while3A_357 : i32 to index
        %get3A_398 = arith.constant 96 : index
        %get3A_399 = tpu.vector_load %arg8[%get3A_397, %get3A_398] {strides = array<i32>} : memref<144x256xf32, #tpu.memory_space<vmem>>, vector<16xf32>,
        %max3A_400 = arith.maximumf %while3A_364, %get3A_399 : vector<16xf32>
        %get3A_401 = arith.index_cast %while3A_357 : i32 to index
        %get3A_402 = arith.constant 112 : index
        %get3A_403 = tpu.vector_load %arg8[%get3A_401, %get3A_402] {strides = array<i32>} : memref<144x256xf32, #tpu.memory_space<vmem>>, vector<16xf32>,
        %max3A_404 = arith.maximumf %while3A_365, %get3A_403 : vector<16xf32>
        %get3A_405 = arith.index_cast %while3A_357 : i32 to index
        %get3A_406 = arith.constant 128 : index
        %get3A_407 = tpu.vector_load %arg8[%get3A_405, %get3A_406] {strides = array<i32>} : memref<144x256xf32, #tpu.memory_space<vmem>>, vector<16xf32>,
        %max3A_408 = arith.maximumf %while3A_366, %get3A_407 : vector<16xf32>
        %get3A_409 = arith.index_cast %while3A_357 : i32 to index
        %get3A_410 = arith.constant 144 : index
        %get3A_411 = tpu.vector_load %arg8[%get3A_409, %get3A_410] {strides = array<i32>} : memref<144x256xf32, #tpu.memory_space<vmem>>, vector<16xf32>,
        %max3A_412 = arith.maximumf %while3A_367, %get3A_411 : vector<16xf32>
        %get3A_413 = arith.index_cast %while3A_357 : i32 to index
        %get3A_414 = arith.constant 160 : index
        %get3A_415 = tpu.vector_load %arg8[%get3A_413, %get3A_414] {strides = array<i32>} : memref<144x256xf32, #tpu.memory_space<vmem>>, vector<16xf32>,
        %max3A_416 = arith.maximumf %while3A_368, %get3A_415 : vector<16xf32>
        %get3A_417 = arith.index_cast %while3A_357 : i32 to index
        %get3A_418 = arith.constant 176 : index
        %get3A_419 = tpu.vector_load %arg8[%get3A_417, %get3A_418] {strides = array<i32>} : memref<144x256xf32, #tpu.memory_space<vmem>>, vector<16xf32>,
        %max3A_420 = arith.maximumf %while3A_369, %get3A_419 : vector<16xf32>
        %get3A_421 = arith.index_cast %while3A_357 : i32 to index
        %get3A_422 = arith.constant 192 : index
        %get3A_423 = tpu.vector_load %arg8[%get3A_421, %get3A_422] {strides = array<i32>} : memref<144x256xf32, #tpu.memory_space<vmem>>, vector<16xf32>,
        %max3A_424 = arith.maximumf %while3A_370, %get3A_423 : vector<16xf32>
        %get3A_425 = arith.index_cast %while3A_357 : i32 to index
        %get3A_426 = arith.constant 208 : index
        %get3A_427 = tpu.vector_load %arg8[%get3A_425, %get3A_426] {strides = array<i32>} : memref<144x256xf32, #tpu.memory_space<vmem>>, vector<16xf32>,
        %max3A_428 = arith.maximumf %while3A_371, %get3A_427 : vector<16xf32>
        %get3A_429 = arith.index_cast %while3A_357 : i32 to index
        %get3A_430 = arith.constant 224 : index
        %get3A_431 = tpu.vector_load %arg8[%get3A_429, %get3A_430] {strides = array<i32>} : memref<144x256xf32, #tpu.memory_space<vmem>>, vector<16xf32>,
        %max3A_432 = arith.maximumf %while3A_372, %get3A_431 : vector<16xf32>
        %get3A_433 = arith.index_cast %while3A_357 : i32 to index
        %get3A_434 = arith.constant 240 : index
        %get3A_435 = tpu.vector_load %arg8[%get3A_433, %get3A_434] {strides = array<i32>} : memref<144x256xf32, #tpu.memory_space<vmem>>, vector<16xf32>,
        %max3A_436 = arith.maximumf %while3A_373, %get3A_435 : vector<16xf32>
        scf.yield %max3A_376, %max3A_380, %max3A_384, %max3A_388, %max3A_392, %max3A_396, %max3A_400, %max3A_404, %max3A_408, %max3A_412, %max3A_416, %max3A_420, %max3A_424, %max3A_428, %max3A_432, %max3A_436 : vector<16xf32>, vector<16xf32>, vector<16xf32>, vector<16xf32>, vector<16xf32>, vector<16xf32>, vector<16xf32>, vector<16xf32>, vector<16xf32>, vector<16xf32>, vector<16xf32>, vector<16xf32>, vector<16xf32>, vector<16xf32>, vector<16xf32>, vector<16xf32>
      }
      %add3A_351 = arith.constant 2 : i32
      %add3A_352 = arith.addi %add3A_295, %add3A_351 : i32
      %lt3A_353 = arith.cmpi slt, %add3A_352, %select_n3A_85 : i32
      %convert_element_type3A_354 = arith.extui %lt3A_353 : i1 to i32
      %cond3A_355 = arith.constant 0 : i32
      %cond3A_356 = arith.cmpi ne, %convert_element_type3A_354, %cond3A_355 : i32
      scf.if %cond3A_356 {
        %add3A_357 = arith.constant 2 : i32
        %add3A_358 = arith.addi %add3A_295, %add3A_357 : i32
        %mul3A_359 = arith.constant 144 : i32
        %mul3A_360 = arith.muli %add3A_358, %mul3A_359 : i32
        %add3A_361 = arith.addi %and3A_57, %mul3A_360 : i32
        %sub3A_362 = arith.constant 144 : i32
        %sub3A_363 = arith.subi %and3A_61, %sub3A_362 : i32
        %min3A_364 = arith.minsi %add3A_361, %sub3A_363 : i32
        %max3A_365 = arith.constant 0 : i32
        %max3A_366 = arith.maxsi %max3A_365, %min3A_364 : i32
        %multiple_of3A_367 = tpu.assume_multiple %max3A_366, 8 : i32
        %dma_start3A = arith.constant 0 : i32
        %dma_start3A_368 = tpu.memref_slice %arg2[%multiple_of3A_367, %dma_start3A] : memref<50000x256xf32, #tpu.memory_space<hbm>> -> memref<144x256xf32, #tpu.memory_space<hbm>>
        %dma_start3A_369 = arith.constant 0 : i32
        %dma_start3A_370 = tpu.memref_slice %arg2[%multiple_of3A_367, %dma_start3A_369] : memref<50000x256xf32, #tpu.memory_space<hbm>> -> memref<144x256xf32, #tpu.memory_space<hbm>>
        tpu.enqueue_dma source(%dma_start3A_370 : memref<144x256xf32, #tpu.memory_space<hbm>>) target(%arg8 : memref<144x256xf32, #tpu.memory_space<vmem>>) target_semaphore(%arg11 : memref<!tpu.dma_semaphore, #tpu.memory_space<semaphore_mem>>)
      } else {
      }
      scf.yield %while3A_340#0, %while3A_340#1, %while3A_340#2, %while3A_340#3, %while3A_340#4, %while3A_340#5, %while3A_340#6, %while3A_340#7, %while3A_340#8, %while3A_340#9, %while3A_340#10, %while3A_340#11, %while3A_340#12, %while3A_340#13, %while3A_340#14, %while3A_340#15, %while3A_350#0, %while3A_350#1, %while3A_350#2, %while3A_350#3, %while3A_350#4, %while3A_350#5, %while3A_350#6, %while3A_350#7, %while3A_350#8, %while3A_350#9, %while3A_350#10, %while3A_350#11, %while3A_350#12, %while3A_350#13, %while3A_350#14, %while3A_350#15 : vector<16xf32>, vector<16xf32>, vector<16xf32>, vector<16xf32>, vector<16xf32>, vector<16xf32>, vector<16xf32>, vector<16xf32>, vector<16xf32>, vector<16xf32>, vector<16xf32>, vector<16xf32>, vector<16xf32>, vector<16xf32>, vector<16xf32>, vector<16xf32>, vector<16xf32>, vector<16xf32>, vector<16xf32>, vector<16xf32>, vector<16xf32>, vector<16xf32>, vector<16xf32>, vector<16xf32>, vector<16xf32>, vector<16xf32>, vector<16xf32>, vector<16xf32>, vector<16xf32>, vector<16xf32>, vector<16xf32>, vector<16xf32>
    }
    %while3A_131 = arith.constant 1 : i32
    %while3A_132:32 = scf.for %while3A_200 = %while3A_128 to %while3A_124 step %while3A_131 iter_args(%while3A_201 = %while3A_130#0, %while3A_202 = %while3A_130#1, %while3A_203 = %while3A_130#2, %while3A_204 = %while3A_130#3, %while3A_205 = %while3A_130#4, %while3A_206 = %while3A_130#5, %while3A_207 = %while3A_130#6, %while3A_208 = %while3A_130#7, %while3A_209 = %while3A_130#8, %while3A_210 = %while3A_130#9, %while3A_211 = %while3A_130#10, %while3A_212 = %while3A_130#11, %while3A_213 = %while3A_130#12, %while3A_214 = %while3A_130#13, %while3A_215 = %while3A_130#14, %while3A_216 = %while3A_130#15, %while3A_217 = %while3A_130#16, %while3A_218 = %while3A_130#17, %while3A_219 = %while3A_130#18, %while3A_220 = %while3A_130#19, %while3A_221 = %while3A_130#20, %while3A_222 = %while3A_130#21, %while3A_223 = %while3A_130#22, %while3A_224 = %while3A_130#23, %while3A_225 = %while3A_130#24, %while3A_226 = %while3A_130#25, %while3A_227 = %while3A_130#26, %while3A_228 = %while3A_130#27, %while3A_229 = %while3A_130#28, %while3A_230 = %while3A_130#29, %while3A_231 = %while3A_130#30, %while3A_232 = %while3A_130#31) -> (vector<16xf32>, vector<16xf32>, vector<16xf32>, vector<16xf32>, vector<16xf32>, vector<16xf32>, vector<16xf32>, vector<16xf32>, vector<16xf32>, vector<16xf32>, vector<16xf32>, vector<16xf32>, vector<16xf32>, vector<16xf32>, vector<16xf32>, vector<16xf32>, vector<16xf32>, vector<16xf32>, vector<16xf32>, vector<16xf32>, vector<16xf32>, vector<16xf32>, vector<16xf32>, vector<16xf32>, vector<16xf32>, vector<16xf32>, vector<16xf32>, vector<16xf32>, vector<16xf32>, vector<16xf32>, vector<16xf32>, vector<16xf32>)  : i32 {
      %mul3A_233 = arith.constant 2 : i32
      %mul3A_234 = arith.muli %mul3A_233, %while3A_200 : i32
      %lt3A = arith.cmpi slt, %mul3A_234, %select_n3A_85 : i32
      %convert_element_type3A_235 = arith.extui %lt3A : i1 to i32
      %cond3A_236 = arith.constant 0 : i32
      %cond3A_237 = arith.cmpi ne, %convert_element_type3A_235, %cond3A_236 : i32
      scf.if %cond3A_237 {
        %mul3A_357 = arith.constant 144 : i32
        %mul3A_358 = arith.muli %mul3A_234, %mul3A_357 : i32
        %add3A_359 = arith.addi %and3A_57, %mul3A_358 : i32
        %sub3A_360 = arith.constant 144 : i32
        %sub3A_361 = arith.subi %and3A_61, %sub3A_360 : i32
        %min3A_362 = arith.minsi %add3A_359, %sub3A_361 : i32
        %max3A_363 = arith.constant 0 : i32
        %max3A_364 = arith.maxsi %max3A_363, %min3A_362 : i32
        %multiple_of3A_365 = tpu.assume_multiple %max3A_364, 8 : i32
        %dma_wait3A = arith.constant 0 : i32
        %dma_wait3A_366 = tpu.memref_slice %arg2[%multiple_of3A_365, %dma_wait3A] : memref<50000x256xf32, #tpu.memory_space<hbm>> -> memref<144x256xf32, #tpu.memory_space<hbm>>
        %dma_wait3A_367 = arith.constant 0 : i32
        %dma_wait3A_368 = tpu.memref_slice %arg2[%multiple_of3A_365, %dma_wait3A_367] : memref<50000x256xf32, #tpu.memory_space<hbm>> -> memref<144x256xf32, #tpu.memory_space<hbm>>
        tpu.wait_dma2 semaphore(%arg10 : memref<!tpu.dma_semaphore, #tpu.memory_space<semaphore_mem>>) src(%dma_wait3A_368 : memref<144x256xf32, #tpu.memory_space<hbm>>) dst(%arg7 : memref<144x256xf32, #tpu.memory_space<vmem>>)
      } else {
      }
      %lt3A_238 = arith.cmpi slt, %mul3A_234, %select_n3A_85 : i32
      %mul3A_239 = arith.constant 144 : i32
      %mul3A_240 = arith.muli %mul3A_234, %mul3A_239 : i32
      %add3A_241 = arith.addi %and3A_57, %mul3A_240 : i32
      %sub3A_242 = arith.constant 144 : i32
      %sub3A_243 = arith.subi %and3A_61, %sub3A_242 : i32
      %min3A = arith.minsi %add3A_241, %sub3A_243 : i32
      %max3A = arith.constant 0 : i32
      %max3A_244 = arith.maxsi %max3A, %min3A : i32
      %multiple_of3A = tpu.assume_multiple %max3A_244, 8 : i32
      %sub3A_245 = arith.subi %reduce_max3A_26, %multiple_of3A : i32
      %jit3A_246 = arith.constant 0 : i32
      %jit3A_247 = arith.constant 144 : i32
      %max3A_248 = arith.maxsi %jit3A_246, %sub3A_245 : i32
      %min3A_249 = arith.minsi %jit3A_247, %max3A_248 : i32
      %jit3A_250 = arith.constant 0 : i32
      %select_n3A_251 = arith.select %lt3A_238, %min3A_249, %jit3A_250 : i32
      %sub3A_252 = arith.subi %reduce_max3A_41, %multiple_of3A : i32
      %jit3A_253 = arith.constant 0 : i32
      %jit3A_254 = arith.constant 144 : i32
      %max3A_255 = arith.maxsi %jit3A_253, %sub3A_252 : i32
      %min3A_256 = arith.minsi %jit3A_254, %max3A_255 : i32
      %jit3A_257 = arith.constant 0 : i32
      %select_n3A_258 = arith.select %lt3A_238, %min3A_256, %jit3A_257 : i32
      %sub3A_259 = arith.subi %reduce_max3A_56, %multiple_of3A : i32
      %jit3A_260 = arith.constant 0 : i32
      %jit3A_261 = arith.constant 144 : i32
      %max3A_262 = arith.maxsi %jit3A_260, %sub3A_259 : i32
      %min3A_263 = arith.minsi %jit3A_261, %max3A_262 : i32
      %jit3A_264 = arith.constant 0 : i32
      %select_n3A_265 = arith.select %lt3A_238, %min3A_263, %jit3A_264 : i32
      %while3A_266 = arith.subi %select_n3A_258, %select_n3A_251 : i32
      %while3A_267 = arith.addi %select_n3A_251, %while3A_266 : i32
      %while3A_268 = arith.constant 1 : i32
      %while3A_269 = arith.divsi %while3A_266, %while3A_268 : i32
      %while3A_270 = arith.muli %while3A_269, %while3A_268 : i32
      %while3A_271 = arith.addi %select_n3A_251, %while3A_270 : i32
      %while3A_272 = arith.constant 1 : i32
      %while3A_273:16 = scf.for %while3A_357 = %select_n3A_251 to %while3A_271 step %while3A_272 iter_args(%while3A_358 = %while3A_201, %while3A_359 = %while3A_202, %while3A_360 = %while3A_203, %while3A_361 = %while3A_204, %while3A_362 = %while3A_205, %while3A_363 = %while3A_206, %while3A_364 = %while3A_207, %while3A_365 = %while3A_208, %while3A_366 = %while3A_209, %while3A_367 = %while3A_210, %while3A_368 = %while3A_211, %while3A_369 = %while3A_212, %while3A_370 = %while3A_213, %while3A_371 = %while3A_214, %while3A_372 = %while3A_215, %while3A_373 = %while3A_216) -> (vector<16xf32>, vector<16xf32>, vector<16xf32>, vector<16xf32>, vector<16xf32>, vector<16xf32>, vector<16xf32>, vector<16xf32>, vector<16xf32>, vector<16xf32>, vector<16xf32>, vector<16xf32>, vector<16xf32>, vector<16xf32>, vector<16xf32>, vector<16xf32>)  : i32 {
        %get3A = arith.index_cast %while3A_357 : i32 to index
        %get3A_374 = arith.constant 0 : index
        %get3A_375 = tpu.vector_load %arg7[%get3A, %get3A_374] {strides = array<i32>} : memref<144x256xf32, #tpu.memory_space<vmem>>, vector<16xf32>,
        %max3A_376 = arith.maximumf %while3A_358, %get3A_375 : vector<16xf32>
        %get3A_377 = arith.index_cast %while3A_357 : i32 to index
        %get3A_378 = arith.constant 16 : index
        %get3A_379 = tpu.vector_load %arg7[%get3A_377, %get3A_378] {strides = array<i32>} : memref<144x256xf32, #tpu.memory_space<vmem>>, vector<16xf32>,
        %max3A_380 = arith.maximumf %while3A_359, %get3A_379 : vector<16xf32>
        %get3A_381 = arith.index_cast %while3A_357 : i32 to index
        %get3A_382 = arith.constant 32 : index
        %get3A_383 = tpu.vector_load %arg7[%get3A_381, %get3A_382] {strides = array<i32>} : memref<144x256xf32, #tpu.memory_space<vmem>>, vector<16xf32>,
        %max3A_384 = arith.maximumf %while3A_360, %get3A_383 : vector<16xf32>
        %get3A_385 = arith.index_cast %while3A_357 : i32 to index
        %get3A_386 = arith.constant 48 : index
        %get3A_387 = tpu.vector_load %arg7[%get3A_385, %get3A_386] {strides = array<i32>} : memref<144x256xf32, #tpu.memory_space<vmem>>, vector<16xf32>,
        %max3A_388 = arith.maximumf %while3A_361, %get3A_387 : vector<16xf32>
        %get3A_389 = arith.index_cast %while3A_357 : i32 to index
        %get3A_390 = arith.constant 64 : index
        %get3A_391 = tpu.vector_load %arg7[%get3A_389, %get3A_390] {strides = array<i32>} : memref<144x256xf32, #tpu.memory_space<vmem>>, vector<16xf32>,
        %max3A_392 = arith.maximumf %while3A_362, %get3A_391 : vector<16xf32>
        %get3A_393 = arith.index_cast %while3A_357 : i32 to index
        %get3A_394 = arith.constant 80 : index
        %get3A_395 = tpu.vector_load %arg7[%get3A_393, %get3A_394] {strides = array<i32>} : memref<144x256xf32, #tpu.memory_space<vmem>>, vector<16xf32>,
        %max3A_396 = arith.maximumf %while3A_363, %get3A_395 : vector<16xf32>
        %get3A_397 = arith.index_cast %while3A_357 : i32 to index
        %get3A_398 = arith.constant 96 : index
        %get3A_399 = tpu.vector_load %arg7[%get3A_397, %get3A_398] {strides = array<i32>} : memref<144x256xf32, #tpu.memory_space<vmem>>, vector<16xf32>,
        %max3A_400 = arith.maximumf %while3A_364, %get3A_399 : vector<16xf32>
        %get3A_401 = arith.index_cast %while3A_357 : i32 to index
        %get3A_402 = arith.constant 112 : index
        %get3A_403 = tpu.vector_load %arg7[%get3A_401, %get3A_402] {strides = array<i32>} : memref<144x256xf32, #tpu.memory_space<vmem>>, vector<16xf32>,
        %max3A_404 = arith.maximumf %while3A_365, %get3A_403 : vector<16xf32>
        %get3A_405 = arith.index_cast %while3A_357 : i32 to index
        %get3A_406 = arith.constant 128 : index
        %get3A_407 = tpu.vector_load %arg7[%get3A_405, %get3A_406] {strides = array<i32>} : memref<144x256xf32, #tpu.memory_space<vmem>>, vector<16xf32>,
        %max3A_408 = arith.maximumf %while3A_366, %get3A_407 : vector<16xf32>
        %get3A_409 = arith.index_cast %while3A_357 : i32 to index
        %get3A_410 = arith.constant 144 : index
        %get3A_411 = tpu.vector_load %arg7[%get3A_409, %get3A_410] {strides = array<i32>} : memref<144x256xf32, #tpu.memory_space<vmem>>, vector<16xf32>,
        %max3A_412 = arith.maximumf %while3A_367, %get3A_411 : vector<16xf32>
        %get3A_413 = arith.index_cast %while3A_357 : i32 to index
        %get3A_414 = arith.constant 160 : index
        %get3A_415 = tpu.vector_load %arg7[%get3A_413, %get3A_414] {strides = array<i32>} : memref<144x256xf32, #tpu.memory_space<vmem>>, vector<16xf32>,
        %max3A_416 = arith.maximumf %while3A_368, %get3A_415 : vector<16xf32>
        %get3A_417 = arith.index_cast %while3A_357 : i32 to index
        %get3A_418 = arith.constant 176 : index
        %get3A_419 = tpu.vector_load %arg7[%get3A_417, %get3A_418] {strides = array<i32>} : memref<144x256xf32, #tpu.memory_space<vmem>>, vector<16xf32>,
        %max3A_420 = arith.maximumf %while3A_369, %get3A_419 : vector<16xf32>
        %get3A_421 = arith.index_cast %while3A_357 : i32 to index
        %get3A_422 = arith.constant 192 : index
        %get3A_423 = tpu.vector_load %arg7[%get3A_421, %get3A_422] {strides = array<i32>} : memref<144x256xf32, #tpu.memory_space<vmem>>, vector<16xf32>,
        %max3A_424 = arith.maximumf %while3A_370, %get3A_423 : vector<16xf32>
        %get3A_425 = arith.index_cast %while3A_357 : i32 to index
        %get3A_426 = arith.constant 208 : index
        %get3A_427 = tpu.vector_load %arg7[%get3A_425, %get3A_426] {strides = array<i32>} : memref<144x256xf32, #tpu.memory_space<vmem>>, vector<16xf32>,
        %max3A_428 = arith.maximumf %while3A_371, %get3A_427 : vector<16xf32>
        %get3A_429 = arith.index_cast %while3A_357 : i32 to index
        %get3A_430 = arith.constant 224 : index
        %get3A_431 = tpu.vector_load %arg7[%get3A_429, %get3A_430] {strides = array<i32>} : memref<144x256xf32, #tpu.memory_space<vmem>>, vector<16xf32>,
        %max3A_432 = arith.maximumf %while3A_372, %get3A_431 : vector<16xf32>
        %get3A_433 = arith.index_cast %while3A_357 : i32 to index
        %get3A_434 = arith.constant 240 : index
        %get3A_435 = tpu.vector_load %arg7[%get3A_433, %get3A_434] {strides = array<i32>} : memref<144x256xf32, #tpu.memory_space<vmem>>, vector<16xf32>,
        %max3A_436 = arith.maximumf %while3A_373, %get3A_435 : vector<16xf32>
        scf.yield %max3A_376, %max3A_380, %max3A_384, %max3A_388, %max3A_392, %max3A_396, %max3A_400, %max3A_404, %max3A_408, %max3A_412, %max3A_416, %max3A_420, %max3A_424, %max3A_428, %max3A_432, %max3A_436 : vector<16xf32>, vector<16xf32>, vector<16xf32>, vector<16xf32>, vector<16xf32>, vector<16xf32>, vector<16xf32>, vector<16xf32>, vector<16xf32>, vector<16xf32>, vector<16xf32>, vector<16xf32>, vector<16xf32>, vector<16xf32>, vector<16xf32>, vector<16xf32>
      }
      %while3A_274 = arith.constant 1 : i32
      %while3A_275:16 = scf.for %while3A_357 = %while3A_271 to %while3A_267 step %while3A_274 iter_args(%while3A_358 = %while3A_273#0, %while3A_359 = %while3A_273#1, %while3A_360 = %while3A_273#2, %while3A_361 = %while3A_273#3, %while3A_362 = %while3A_273#4, %while3A_363 = %while3A_273#5, %while3A_364 = %while3A_273#6, %while3A_365 = %while3A_273#7, %while3A_366 = %while3A_273#8, %while3A_367 = %while3A_273#9, %while3A_368 = %while3A_273#10, %while3A_369 = %while3A_273#11, %while3A_370 = %while3A_273#12, %while3A_371 = %while3A_273#13, %while3A_372 = %while3A_273#14, %while3A_373 = %while3A_273#15) -> (vector<16xf32>, vector<16xf32>, vector<16xf32>, vector<16xf32>, vector<16xf32>, vector<16xf32>, vector<16xf32>, vector<16xf32>, vector<16xf32>, vector<16xf32>, vector<16xf32>, vector<16xf32>, vector<16xf32>, vector<16xf32>, vector<16xf32>, vector<16xf32>)  : i32 {
        %get3A = arith.index_cast %while3A_357 : i32 to index
        %get3A_374 = arith.constant 0 : index
        %get3A_375 = tpu.vector_load %arg7[%get3A, %get3A_374] {strides = array<i32>} : memref<144x256xf32, #tpu.memory_space<vmem>>, vector<16xf32>,
        %max3A_376 = arith.maximumf %while3A_358, %get3A_375 : vector<16xf32>
        %get3A_377 = arith.index_cast %while3A_357 : i32 to index
        %get3A_378 = arith.constant 16 : index
        %get3A_379 = tpu.vector_load %arg7[%get3A_377, %get3A_378] {strides = array<i32>} : memref<144x256xf32, #tpu.memory_space<vmem>>, vector<16xf32>,
        %max3A_380 = arith.maximumf %while3A_359, %get3A_379 : vector<16xf32>
        %get3A_381 = arith.index_cast %while3A_357 : i32 to index
        %get3A_382 = arith.constant 32 : index
        %get3A_383 = tpu.vector_load %arg7[%get3A_381, %get3A_382] {strides = array<i32>} : memref<144x256xf32, #tpu.memory_space<vmem>>, vector<16xf32>,
        %max3A_384 = arith.maximumf %while3A_360, %get3A_383 : vector<16xf32>
        %get3A_385 = arith.index_cast %while3A_357 : i32 to index
        %get3A_386 = arith.constant 48 : index
        %get3A_387 = tpu.vector_load %arg7[%get3A_385, %get3A_386] {strides = array<i32>} : memref<144x256xf32, #tpu.memory_space<vmem>>, vector<16xf32>,
        %max3A_388 = arith.maximumf %while3A_361, %get3A_387 : vector<16xf32>
        %get3A_389 = arith.index_cast %while3A_357 : i32 to index
        %get3A_390 = arith.constant 64 : index
        %get3A_391 = tpu.vector_load %arg7[%get3A_389, %get3A_390] {strides = array<i32>} : memref<144x256xf32, #tpu.memory_space<vmem>>, vector<16xf32>,
        %max3A_392 = arith.maximumf %while3A_362, %get3A_391 : vector<16xf32>
        %get3A_393 = arith.index_cast %while3A_357 : i32 to index
        %get3A_394 = arith.constant 80 : index
        %get3A_395 = tpu.vector_load %arg7[%get3A_393, %get3A_394] {strides = array<i32>} : memref<144x256xf32, #tpu.memory_space<vmem>>, vector<16xf32>,
        %max3A_396 = arith.maximumf %while3A_363, %get3A_395 : vector<16xf32>
        %get3A_397 = arith.index_cast %while3A_357 : i32 to index
        %get3A_398 = arith.constant 96 : index
        %get3A_399 = tpu.vector_load %arg7[%get3A_397, %get3A_398] {strides = array<i32>} : memref<144x256xf32, #tpu.memory_space<vmem>>, vector<16xf32>,
        %max3A_400 = arith.maximumf %while3A_364, %get3A_399 : vector<16xf32>
        %get3A_401 = arith.index_cast %while3A_357 : i32 to index
        %get3A_402 = arith.constant 112 : index
        %get3A_403 = tpu.vector_load %arg7[%get3A_401, %get3A_402] {strides = array<i32>} : memref<144x256xf32, #tpu.memory_space<vmem>>, vector<16xf32>,
        %max3A_404 = arith.maximumf %while3A_365, %get3A_403 : vector<16xf32>
        %get3A_405 = arith.index_cast %while3A_357 : i32 to index
        %get3A_406 = arith.constant 128 : index
        %get3A_407 = tpu.vector_load %arg7[%get3A_405, %get3A_406] {strides = array<i32>} : memref<144x256xf32, #tpu.memory_space<vmem>>, vector<16xf32>,
        %max3A_408 = arith.maximumf %while3A_366, %get3A_407 : vector<16xf32>
        %get3A_409 = arith.index_cast %while3A_357 : i32 to index
        %get3A_410 = arith.constant 144 : index
        %get3A_411 = tpu.vector_load %arg7[%get3A_409, %get3A_410] {strides = array<i32>} : memref<144x256xf32, #tpu.memory_space<vmem>>, vector<16xf32>,
        %max3A_412 = arith.maximumf %while3A_367, %get3A_411 : vector<16xf32>
        %get3A_413 = arith.index_cast %while3A_357 : i32 to index
        %get3A_414 = arith.constant 160 : index
        %get3A_415 = tpu.vector_load %arg7[%get3A_413, %get3A_414] {strides = array<i32>} : memref<144x256xf32, #tpu.memory_space<vmem>>, vector<16xf32>,
        %max3A_416 = arith.maximumf %while3A_368, %get3A_415 : vector<16xf32>
        %get3A_417 = arith.index_cast %while3A_357 : i32 to index
        %get3A_418 = arith.constant 176 : index
        %get3A_419 = tpu.vector_load %arg7[%get3A_417, %get3A_418] {strides = array<i32>} : memref<144x256xf32, #tpu.memory_space<vmem>>, vector<16xf32>,
        %max3A_420 = arith.maximumf %while3A_369, %get3A_419 : vector<16xf32>
        %get3A_421 = arith.index_cast %while3A_357 : i32 to index
        %get3A_422 = arith.constant 192 : index
        %get3A_423 = tpu.vector_load %arg7[%get3A_421, %get3A_422] {strides = array<i32>} : memref<144x256xf32, #tpu.memory_space<vmem>>, vector<16xf32>,
        %max3A_424 = arith.maximumf %while3A_370, %get3A_423 : vector<16xf32>
        %get3A_425 = arith.index_cast %while3A_357 : i32 to index
        %get3A_426 = arith.constant 208 : index
        %get3A_427 = tpu.vector_load %arg7[%get3A_425, %get3A_426] {strides = array<i32>} : memref<144x256xf32, #tpu.memory_space<vmem>>, vector<16xf32>,
        %max3A_428 = arith.maximumf %while3A_371, %get3A_427 : vector<16xf32>
        %get3A_429 = arith.index_cast %while3A_357 : i32 to index
        %get3A_430 = arith.constant 224 : index
        %get3A_431 = tpu.vector_load %arg7[%get3A_429, %get3A_430] {strides = array<i32>} : memref<144x256xf32, #tpu.memory_space<vmem>>, vector<16xf32>,
        %max3A_432 = arith.maximumf %while3A_372, %get3A_431 : vector<16xf32>
        %get3A_433 = arith.index_cast %while3A_357 : i32 to index
        %get3A_434 = arith.constant 240 : index
        %get3A_435 = tpu.vector_load %arg7[%get3A_433, %get3A_434] {strides = array<i32>} : memref<144x256xf32, #tpu.memory_space<vmem>>, vector<16xf32>,
        %max3A_436 = arith.maximumf %while3A_373, %get3A_435 : vector<16xf32>
        scf.yield %max3A_376, %max3A_380, %max3A_384, %max3A_388, %max3A_392, %max3A_396, %max3A_400, %max3A_404, %max3A_408, %max3A_412, %max3A_416, %max3A_420, %max3A_424, %max3A_428, %max3A_432, %max3A_436 : vector<16xf32>, vector<16xf32>, vector<16xf32>, vector<16xf32>, vector<16xf32>, vector<16xf32>, vector<16xf32>, vector<16xf32>, vector<16xf32>, vector<16xf32>, vector<16xf32>, vector<16xf32>, vector<16xf32>, vector<16xf32>, vector<16xf32>, vector<16xf32>
      }
      %while3A_276 = arith.subi %select_n3A_265, %select_n3A_258 : i32
      %while3A_277 = arith.addi %select_n3A_258, %while3A_276 : i32
      %while3A_278 = arith.constant 1 : i32
      %while3A_279 = arith.divsi %while3A_276, %while3A_278 : i32
      %while3A_280 = arith.muli %while3A_279, %while3A_278 : i32
      %while3A_281 = arith.addi %select_n3A_258, %while3A_280 : i32
      %while3A_282 = arith.constant 1 : i32
      %while3A_283:16 = scf.for %while3A_357 = %select_n3A_258 to %while3A_281 step %while3A_282 iter_args(%while3A_358 = %while3A_217, %while3A_359 = %while3A_218, %while3A_360 = %while3A_219, %while3A_361 = %while3A_220, %while3A_362 = %while3A_221, %while3A_363 = %while3A_222, %while3A_364 = %while3A_223, %while3A_365 = %while3A_224, %while3A_366 = %while3A_225, %while3A_367 = %while3A_226, %while3A_368 = %while3A_227, %while3A_369 = %while3A_228, %while3A_370 = %while3A_229, %while3A_371 = %while3A_230, %while3A_372 = %while3A_231, %while3A_373 = %while3A_232) -> (vector<16xf32>, vector<16xf32>, vector<16xf32>, vector<16xf32>, vector<16xf32>, vector<16xf32>, vector<16xf32>, vector<16xf32>, vector<16xf32>, vector<16xf32>, vector<16xf32>, vector<16xf32>, vector<16xf32>, vector<16xf32>, vector<16xf32>, vector<16xf32>)  : i32 {
        %get3A = arith.index_cast %while3A_357 : i32 to index
        %get3A_374 = arith.constant 0 : index
        %get3A_375 = tpu.vector_load %arg7[%get3A, %get3A_374] {strides = array<i32>} : memref<144x256xf32, #tpu.memory_space<vmem>>, vector<16xf32>,
        %max3A_376 = arith.maximumf %while3A_358, %get3A_375 : vector<16xf32>
        %get3A_377 = arith.index_cast %while3A_357 : i32 to index
        %get3A_378 = arith.constant 16 : index
        %get3A_379 = tpu.vector_load %arg7[%get3A_377, %get3A_378] {strides = array<i32>} : memref<144x256xf32, #tpu.memory_space<vmem>>, vector<16xf32>,
        %max3A_380 = arith.maximumf %while3A_359, %get3A_379 : vector<16xf32>
        %get3A_381 = arith.index_cast %while3A_357 : i32 to index
        %get3A_382 = arith.constant 32 : index
        %get3A_383 = tpu.vector_load %arg7[%get3A_381, %get3A_382] {strides = array<i32>} : memref<144x256xf32, #tpu.memory_space<vmem>>, vector<16xf32>,
        %max3A_384 = arith.maximumf %while3A_360, %get3A_383 : vector<16xf32>
        %get3A_385 = arith.index_cast %while3A_357 : i32 to index
        %get3A_386 = arith.constant 48 : index
        %get3A_387 = tpu.vector_load %arg7[%get3A_385, %get3A_386] {strides = array<i32>} : memref<144x256xf32, #tpu.memory_space<vmem>>, vector<16xf32>,
        %max3A_388 = arith.maximumf %while3A_361, %get3A_387 : vector<16xf32>
        %get3A_389 = arith.index_cast %while3A_357 : i32 to index
        %get3A_390 = arith.constant 64 : index
        %get3A_391 = tpu.vector_load %arg7[%get3A_389, %get3A_390] {strides = array<i32>} : memref<144x256xf32, #tpu.memory_space<vmem>>, vector<16xf32>,
        %max3A_392 = arith.maximumf %while3A_362, %get3A_391 : vector<16xf32>
        %get3A_393 = arith.index_cast %while3A_357 : i32 to index
        %get3A_394 = arith.constant 80 : index
        %get3A_395 = tpu.vector_load %arg7[%get3A_393, %get3A_394] {strides = array<i32>} : memref<144x256xf32, #tpu.memory_space<vmem>>, vector<16xf32>,
        %max3A_396 = arith.maximumf %while3A_363, %get3A_395 : vector<16xf32>
        %get3A_397 = arith.index_cast %while3A_357 : i32 to index
        %get3A_398 = arith.constant 96 : index
        %get3A_399 = tpu.vector_load %arg7[%get3A_397, %get3A_398] {strides = array<i32>} : memref<144x256xf32, #tpu.memory_space<vmem>>, vector<16xf32>,
        %max3A_400 = arith.maximumf %while3A_364, %get3A_399 : vector<16xf32>
        %get3A_401 = arith.index_cast %while3A_357 : i32 to index
        %get3A_402 = arith.constant 112 : index
        %get3A_403 = tpu.vector_load %arg7[%get3A_401, %get3A_402] {strides = array<i32>} : memref<144x256xf32, #tpu.memory_space<vmem>>, vector<16xf32>,
        %max3A_404 = arith.maximumf %while3A_365, %get3A_403 : vector<16xf32>
        %get3A_405 = arith.index_cast %while3A_357 : i32 to index
        %get3A_406 = arith.constant 128 : index
        %get3A_407 = tpu.vector_load %arg7[%get3A_405, %get3A_406] {strides = array<i32>} : memref<144x256xf32, #tpu.memory_space<vmem>>, vector<16xf32>,
        %max3A_408 = arith.maximumf %while3A_366, %get3A_407 : vector<16xf32>
        %get3A_409 = arith.index_cast %while3A_357 : i32 to index
        %get3A_410 = arith.constant 144 : index
        %get3A_411 = tpu.vector_load %arg7[%get3A_409, %get3A_410] {strides = array<i32>} : memref<144x256xf32, #tpu.memory_space<vmem>>, vector<16xf32>,
        %max3A_412 = arith.maximumf %while3A_367, %get3A_411 : vector<16xf32>
        %get3A_413 = arith.index_cast %while3A_357 : i32 to index
        %get3A_414 = arith.constant 160 : index
        %get3A_415 = tpu.vector_load %arg7[%get3A_413, %get3A_414] {strides = array<i32>} : memref<144x256xf32, #tpu.memory_space<vmem>>, vector<16xf32>,
        %max3A_416 = arith.maximumf %while3A_368, %get3A_415 : vector<16xf32>
        %get3A_417 = arith.index_cast %while3A_357 : i32 to index
        %get3A_418 = arith.constant 176 : index
        %get3A_419 = tpu.vector_load %arg7[%get3A_417, %get3A_418] {strides = array<i32>} : memref<144x256xf32, #tpu.memory_space<vmem>>, vector<16xf32>,
        %max3A_420 = arith.maximumf %while3A_369, %get3A_419 : vector<16xf32>
        %get3A_421 = arith.index_cast %while3A_357 : i32 to index
        %get3A_422 = arith.constant 192 : index
        %get3A_423 = tpu.vector_load %arg7[%get3A_421, %get3A_422] {strides = array<i32>} : memref<144x256xf32, #tpu.memory_space<vmem>>, vector<16xf32>,
        %max3A_424 = arith.maximumf %while3A_370, %get3A_423 : vector<16xf32>
        %get3A_425 = arith.index_cast %while3A_357 : i32 to index
        %get3A_426 = arith.constant 208 : index
        %get3A_427 = tpu.vector_load %arg7[%get3A_425, %get3A_426] {strides = array<i32>} : memref<144x256xf32, #tpu.memory_space<vmem>>, vector<16xf32>,
        %max3A_428 = arith.maximumf %while3A_371, %get3A_427 : vector<16xf32>
        %get3A_429 = arith.index_cast %while3A_357 : i32 to index
        %get3A_430 = arith.constant 224 : index
        %get3A_431 = tpu.vector_load %arg7[%get3A_429, %get3A_430] {strides = array<i32>} : memref<144x256xf32, #tpu.memory_space<vmem>>, vector<16xf32>,
        %max3A_432 = arith.maximumf %while3A_372, %get3A_431 : vector<16xf32>
        %get3A_433 = arith.index_cast %while3A_357 : i32 to index
        %get3A_434 = arith.constant 240 : index
        %get3A_435 = tpu.vector_load %arg7[%get3A_433, %get3A_434] {strides = array<i32>} : memref<144x256xf32, #tpu.memory_space<vmem>>, vector<16xf32>,
        %max3A_436 = arith.maximumf %while3A_373, %get3A_435 : vector<16xf32>
        scf.yield %max3A_376, %max3A_380, %max3A_384, %max3A_388, %max3A_392, %max3A_396, %max3A_400, %max3A_404, %max3A_408, %max3A_412, %max3A_416, %max3A_420, %max3A_424, %max3A_428, %max3A_432, %max3A_436 : vector<16xf32>, vector<16xf32>, vector<16xf32>, vector<16xf32>, vector<16xf32>, vector<16xf32>, vector<16xf32>, vector<16xf32>, vector<16xf32>, vector<16xf32>, vector<16xf32>, vector<16xf32>, vector<16xf32>, vector<16xf32>, vector<16xf32>, vector<16xf32>
      }
      %while3A_284 = arith.constant 1 : i32
      %while3A_285:16 = scf.for %while3A_357 = %while3A_281 to %while3A_277 step %while3A_284 iter_args(%while3A_358 = %while3A_283#0, %while3A_359 = %while3A_283#1, %while3A_360 = %while3A_283#2, %while3A_361 = %while3A_283#3, %while3A_362 = %while3A_283#4, %while3A_363 = %while3A_283#5, %while3A_364 = %while3A_283#6, %while3A_365 = %while3A_283#7, %while3A_366 = %while3A_283#8, %while3A_367 = %while3A_283#9, %while3A_368 = %while3A_283#10, %while3A_369 = %while3A_283#11, %while3A_370 = %while3A_283#12, %while3A_371 = %while3A_283#13, %while3A_372 = %while3A_283#14, %while3A_373 = %while3A_283#15) -> (vector<16xf32>, vector<16xf32>, vector<16xf32>, vector<16xf32>, vector<16xf32>, vector<16xf32>, vector<16xf32>, vector<16xf32>, vector<16xf32>, vector<16xf32>, vector<16xf32>, vector<16xf32>, vector<16xf32>, vector<16xf32>, vector<16xf32>, vector<16xf32>)  : i32 {
        %get3A = arith.index_cast %while3A_357 : i32 to index
        %get3A_374 = arith.constant 0 : index
        %get3A_375 = tpu.vector_load %arg7[%get3A, %get3A_374] {strides = array<i32>} : memref<144x256xf32, #tpu.memory_space<vmem>>, vector<16xf32>,
        %max3A_376 = arith.maximumf %while3A_358, %get3A_375 : vector<16xf32>
        %get3A_377 = arith.index_cast %while3A_357 : i32 to index
        %get3A_378 = arith.constant 16 : index
        %get3A_379 = tpu.vector_load %arg7[%get3A_377, %get3A_378] {strides = array<i32>} : memref<144x256xf32, #tpu.memory_space<vmem>>, vector<16xf32>,
        %max3A_380 = arith.maximumf %while3A_359, %get3A_379 : vector<16xf32>
        %get3A_381 = arith.index_cast %while3A_357 : i32 to index
        %get3A_382 = arith.constant 32 : index
        %get3A_383 = tpu.vector_load %arg7[%get3A_381, %get3A_382] {strides = array<i32>} : memref<144x256xf32, #tpu.memory_space<vmem>>, vector<16xf32>,
        %max3A_384 = arith.maximumf %while3A_360, %get3A_383 : vector<16xf32>
        %get3A_385 = arith.index_cast %while3A_357 : i32 to index
        %get3A_386 = arith.constant 48 : index
        %get3A_387 = tpu.vector_load %arg7[%get3A_385, %get3A_386] {strides = array<i32>} : memref<144x256xf32, #tpu.memory_space<vmem>>, vector<16xf32>,
        %max3A_388 = arith.maximumf %while3A_361, %get3A_387 : vector<16xf32>
        %get3A_389 = arith.index_cast %while3A_357 : i32 to index
        %get3A_390 = arith.constant 64 : index
        %get3A_391 = tpu.vector_load %arg7[%get3A_389, %get3A_390] {strides = array<i32>} : memref<144x256xf32, #tpu.memory_space<vmem>>, vector<16xf32>,
        %max3A_392 = arith.maximumf %while3A_362, %get3A_391 : vector<16xf32>
        %get3A_393 = arith.index_cast %while3A_357 : i32 to index
        %get3A_394 = arith.constant 80 : index
        %get3A_395 = tpu.vector_load %arg7[%get3A_393, %get3A_394] {strides = array<i32>} : memref<144x256xf32, #tpu.memory_space<vmem>>, vector<16xf32>,
        %max3A_396 = arith.maximumf %while3A_363, %get3A_395 : vector<16xf32>
        %get3A_397 = arith.index_cast %while3A_357 : i32 to index
        %get3A_398 = arith.constant 96 : index
        %get3A_399 = tpu.vector_load %arg7[%get3A_397, %get3A_398] {strides = array<i32>} : memref<144x256xf32, #tpu.memory_space<vmem>>, vector<16xf32>,
        %max3A_400 = arith.maximumf %while3A_364, %get3A_399 : vector<16xf32>
        %get3A_401 = arith.index_cast %while3A_357 : i32 to index
        %get3A_402 = arith.constant 112 : index
        %get3A_403 = tpu.vector_load %arg7[%get3A_401, %get3A_402] {strides = array<i32>} : memref<144x256xf32, #tpu.memory_space<vmem>>, vector<16xf32>,
        %max3A_404 = arith.maximumf %while3A_365, %get3A_403 : vector<16xf32>
        %get3A_405 = arith.index_cast %while3A_357 : i32 to index
        %get3A_406 = arith.constant 128 : index
        %get3A_407 = tpu.vector_load %arg7[%get3A_405, %get3A_406] {strides = array<i32>} : memref<144x256xf32, #tpu.memory_space<vmem>>, vector<16xf32>,
        %max3A_408 = arith.maximumf %while3A_366, %get3A_407 : vector<16xf32>
        %get3A_409 = arith.index_cast %while3A_357 : i32 to index
        %get3A_410 = arith.constant 144 : index
        %get3A_411 = tpu.vector_load %arg7[%get3A_409, %get3A_410] {strides = array<i32>} : memref<144x256xf32, #tpu.memory_space<vmem>>, vector<16xf32>,
        %max3A_412 = arith.maximumf %while3A_367, %get3A_411 : vector<16xf32>
        %get3A_413 = arith.index_cast %while3A_357 : i32 to index
        %get3A_414 = arith.constant 160 : index
        %get3A_415 = tpu.vector_load %arg7[%get3A_413, %get3A_414] {strides = array<i32>} : memref<144x256xf32, #tpu.memory_space<vmem>>, vector<16xf32>,
        %max3A_416 = arith.maximumf %while3A_368, %get3A_415 : vector<16xf32>
        %get3A_417 = arith.index_cast %while3A_357 : i32 to index
        %get3A_418 = arith.constant 176 : index
        %get3A_419 = tpu.vector_load %arg7[%get3A_417, %get3A_418] {strides = array<i32>} : memref<144x256xf32, #tpu.memory_space<vmem>>, vector<16xf32>,
        %max3A_420 = arith.maximumf %while3A_369, %get3A_419 : vector<16xf32>
        %get3A_421 = arith.index_cast %while3A_357 : i32 to index
        %get3A_422 = arith.constant 192 : index
        %get3A_423 = tpu.vector_load %arg7[%get3A_421, %get3A_422] {strides = array<i32>} : memref<144x256xf32, #tpu.memory_space<vmem>>, vector<16xf32>,
        %max3A_424 = arith.maximumf %while3A_370, %get3A_423 : vector<16xf32>
        %get3A_425 = arith.index_cast %while3A_357 : i32 to index
        %get3A_426 = arith.constant 208 : index
        %get3A_427 = tpu.vector_load %arg7[%get3A_425, %get3A_426] {strides = array<i32>} : memref<144x256xf32, #tpu.memory_space<vmem>>, vector<16xf32>,
        %max3A_428 = arith.maximumf %while3A_371, %get3A_427 : vector<16xf32>
        %get3A_429 = arith.index_cast %while3A_357 : i32 to index
        %get3A_430 = arith.constant 224 : index
        %get3A_431 = tpu.vector_load %arg7[%get3A_429, %get3A_430] {strides = array<i32>} : memref<144x256xf32, #tpu.memory_space<vmem>>, vector<16xf32>,
        %max3A_432 = arith.maximumf %while3A_372, %get3A_431 : vector<16xf32>
        %get3A_433 = arith.index_cast %while3A_357 : i32 to index
        %get3A_434 = arith.constant 240 : index
        %get3A_435 = tpu.vector_load %arg7[%get3A_433, %get3A_434] {strides = array<i32>} : memref<144x256xf32, #tpu.memory_space<vmem>>, vector<16xf32>,
        %max3A_436 = arith.maximumf %while3A_373, %get3A_435 : vector<16xf32>
        scf.yield %max3A_376, %max3A_380, %max3A_384, %max3A_388, %max3A_392, %max3A_396, %max3A_400, %max3A_404, %max3A_408, %max3A_412, %max3A_416, %max3A_420, %max3A_424, %max3A_428, %max3A_432, %max3A_436 : vector<16xf32>, vector<16xf32>, vector<16xf32>, vector<16xf32>, vector<16xf32>, vector<16xf32>, vector<16xf32>, vector<16xf32>, vector<16xf32>, vector<16xf32>, vector<16xf32>, vector<16xf32>, vector<16xf32>, vector<16xf32>, vector<16xf32>, vector<16xf32>
      }
      %add3A_286 = arith.constant 2 : i32
      %add3A_287 = arith.addi %mul3A_234, %add3A_286 : i32
      %lt3A_288 = arith.cmpi slt, %add3A_287, %select_n3A_85 : i32
      %convert_element_type3A_289 = arith.extui %lt3A_288 : i1 to i32
      %cond3A_290 = arith.constant 0 : i32
      %cond3A_291 = arith.cmpi ne, %convert_element_type3A_289, %cond3A_290 : i32
      scf.if %cond3A_291 {
        %add3A_357 = arith.constant 2 : i32
        %add3A_358 = arith.addi %mul3A_234, %add3A_357 : i32
        %mul3A_359 = arith.constant 144 : i32
        %mul3A_360 = arith.muli %add3A_358, %mul3A_359 : i32
        %add3A_361 = arith.addi %and3A_57, %mul3A_360 : i32
        %sub3A_362 = arith.constant 144 : i32
        %sub3A_363 = arith.subi %and3A_61, %sub3A_362 : i32
        %min3A_364 = arith.minsi %add3A_361, %sub3A_363 : i32
        %max3A_365 = arith.constant 0 : i32
        %max3A_366 = arith.maxsi %max3A_365, %min3A_364 : i32
        %multiple_of3A_367 = tpu.assume_multiple %max3A_366, 8 : i32
        %dma_start3A = arith.constant 0 : i32
        %dma_start3A_368 = tpu.memref_slice %arg2[%multiple_of3A_367, %dma_start3A] : memref<50000x256xf32, #tpu.memory_space<hbm>> -> memref<144x256xf32, #tpu.memory_space<hbm>>
        %dma_start3A_369 = arith.constant 0 : i32
        %dma_start3A_370 = tpu.memref_slice %arg2[%multiple_of3A_367, %dma_start3A_369] : memref<50000x256xf32, #tpu.memory_space<hbm>> -> memref<144x256xf32, #tpu.memory_space<hbm>>
        tpu.enqueue_dma source(%dma_start3A_370 : memref<144x256xf32, #tpu.memory_space<hbm>>) target(%arg7 : memref<144x256xf32, #tpu.memory_space<vmem>>) target_semaphore(%arg10 : memref<!tpu.dma_semaphore, #tpu.memory_space<semaphore_mem>>)
      } else {
      }
      %mul3A_292 = arith.constant 2 : i32
      %mul3A_293 = arith.muli %mul3A_292, %while3A_200 : i32
      %add3A_294 = arith.constant 1 : i32
      %add3A_295 = arith.addi %mul3A_293, %add3A_294 : i32
      %lt3A_296 = arith.cmpi slt, %add3A_295, %select_n3A_85 : i32
      %convert_element_type3A_297 = arith.extui %lt3A_296 : i1 to i32
      %cond3A_298 = arith.constant 0 : i32
      %cond3A_299 = arith.cmpi ne, %convert_element_type3A_297, %cond3A_298 : i32
      scf.if %cond3A_299 {
        %mul3A_357 = arith.constant 144 : i32
        %mul3A_358 = arith.muli %add3A_295, %mul3A_357 : i32
        %add3A_359 = arith.addi %and3A_57, %mul3A_358 : i32
        %sub3A_360 = arith.constant 144 : i32
        %sub3A_361 = arith.subi %and3A_61, %sub3A_360 : i32
        %min3A_362 = arith.minsi %add3A_359, %sub3A_361 : i32
        %max3A_363 = arith.constant 0 : i32
        %max3A_364 = arith.maxsi %max3A_363, %min3A_362 : i32
        %multiple_of3A_365 = tpu.assume_multiple %max3A_364, 8 : i32
        %dma_wait3A = arith.constant 0 : i32
        %dma_wait3A_366 = tpu.memref_slice %arg2[%multiple_of3A_365, %dma_wait3A] : memref<50000x256xf32, #tpu.memory_space<hbm>> -> memref<144x256xf32, #tpu.memory_space<hbm>>
        %dma_wait3A_367 = arith.constant 0 : i32
        %dma_wait3A_368 = tpu.memref_slice %arg2[%multiple_of3A_365, %dma_wait3A_367] : memref<50000x256xf32, #tpu.memory_space<hbm>> -> memref<144x256xf32, #tpu.memory_space<hbm>>
        tpu.wait_dma2 semaphore(%arg11 : memref<!tpu.dma_semaphore, #tpu.memory_space<semaphore_mem>>) src(%dma_wait3A_368 : memref<144x256xf32, #tpu.memory_space<hbm>>) dst(%arg8 : memref<144x256xf32, #tpu.memory_space<vmem>>)
      } else {
      }
      %lt3A_300 = arith.cmpi slt, %add3A_295, %select_n3A_85 : i32
      %mul3A_301 = arith.constant 144 : i32
      %mul3A_302 = arith.muli %add3A_295, %mul3A_301 : i32
      %add3A_303 = arith.addi %and3A_57, %mul3A_302 : i32
      %sub3A_304 = arith.constant 144 : i32
      %sub3A_305 = arith.subi %and3A_61, %sub3A_304 : i32
      %min3A_306 = arith.minsi %add3A_303, %sub3A_305 : i32
      %max3A_307 = arith.constant 0 : i32
      %max3A_308 = arith.maxsi %max3A_307, %min3A_306 : i32
      %multiple_of3A_309 = tpu.assume_multiple %max3A_308, 8 : i32
      %sub3A_310 = arith.subi %reduce_max3A_26, %multiple_of3A_309 : i32
      %jit3A_311 = arith.constant 0 : i32
      %jit3A_312 = arith.constant 144 : i32
      %max3A_313 = arith.maxsi %jit3A_311, %sub3A_310 : i32
      %min3A_314 = arith.minsi %jit3A_312, %max3A_313 : i32
      %jit3A_315 = arith.constant 0 : i32
      %select_n3A_316 = arith.select %lt3A_300, %min3A_314, %jit3A_315 : i32
      %sub3A_317 = arith.subi %reduce_max3A_41, %multiple_of3A_309 : i32
      %jit3A_318 = arith.constant 0 : i32
      %jit3A_319 = arith.constant 144 : i32
      %max3A_320 = arith.maxsi %jit3A_318, %sub3A_317 : i32
      %min3A_321 = arith.minsi %jit3A_319, %max3A_320 : i32
      %jit3A_322 = arith.constant 0 : i32
      %select_n3A_323 = arith.select %lt3A_300, %min3A_321, %jit3A_322 : i32
      %sub3A_324 = arith.subi %reduce_max3A_56, %multiple_of3A_309 : i32
      %jit3A_325 = arith.constant 0 : i32
      %jit3A_326 = arith.constant 144 : i32
      %max3A_327 = arith.maxsi %jit3A_325, %sub3A_324 : i32
      %min3A_328 = arith.minsi %jit3A_326, %max3A_327 : i32
      %jit3A_329 = arith.constant 0 : i32
      %select_n3A_330 = arith.select %lt3A_300, %min3A_328, %jit3A_329 : i32
      %while3A_331 = arith.subi %select_n3A_323, %select_n3A_316 : i32
      %while3A_332 = arith.addi %select_n3A_316, %while3A_331 : i32
      %while3A_333 = arith.constant 1 : i32
      %while3A_334 = arith.divsi %while3A_331, %while3A_333 : i32
      %while3A_335 = arith.muli %while3A_334, %while3A_333 : i32
      %while3A_336 = arith.addi %select_n3A_316, %while3A_335 : i32
      %while3A_337 = arith.constant 1 : i32
      %while3A_338:16 = scf.for %while3A_357 = %select_n3A_316 to %while3A_336 step %while3A_337 iter_args(%while3A_358 = %while3A_275#0, %while3A_359 = %while3A_275#1, %while3A_360 = %while3A_275#2, %while3A_361 = %while3A_275#3, %while3A_362 = %while3A_275#4, %while3A_363 = %while3A_275#5, %while3A_364 = %while3A_275#6, %while3A_365 = %while3A_275#7, %while3A_366 = %while3A_275#8, %while3A_367 = %while3A_275#9, %while3A_368 = %while3A_275#10, %while3A_369 = %while3A_275#11, %while3A_370 = %while3A_275#12, %while3A_371 = %while3A_275#13, %while3A_372 = %while3A_275#14, %while3A_373 = %while3A_275#15) -> (vector<16xf32>, vector<16xf32>, vector<16xf32>, vector<16xf32>, vector<16xf32>, vector<16xf32>, vector<16xf32>, vector<16xf32>, vector<16xf32>, vector<16xf32>, vector<16xf32>, vector<16xf32>, vector<16xf32>, vector<16xf32>, vector<16xf32>, vector<16xf32>)  : i32 {
        %get3A = arith.index_cast %while3A_357 : i32 to index
        %get3A_374 = arith.constant 0 : index
        %get3A_375 = tpu.vector_load %arg8[%get3A, %get3A_374] {strides = array<i32>} : memref<144x256xf32, #tpu.memory_space<vmem>>, vector<16xf32>,
        %max3A_376 = arith.maximumf %while3A_358, %get3A_375 : vector<16xf32>
        %get3A_377 = arith.index_cast %while3A_357 : i32 to index
        %get3A_378 = arith.constant 16 : index
        %get3A_379 = tpu.vector_load %arg8[%get3A_377, %get3A_378] {strides = array<i32>} : memref<144x256xf32, #tpu.memory_space<vmem>>, vector<16xf32>,
        %max3A_380 = arith.maximumf %while3A_359, %get3A_379 : vector<16xf32>
        %get3A_381 = arith.index_cast %while3A_357 : i32 to index
        %get3A_382 = arith.constant 32 : index
        %get3A_383 = tpu.vector_load %arg8[%get3A_381, %get3A_382] {strides = array<i32>} : memref<144x256xf32, #tpu.memory_space<vmem>>, vector<16xf32>,
        %max3A_384 = arith.maximumf %while3A_360, %get3A_383 : vector<16xf32>
        %get3A_385 = arith.index_cast %while3A_357 : i32 to index
        %get3A_386 = arith.constant 48 : index
        %get3A_387 = tpu.vector_load %arg8[%get3A_385, %get3A_386] {strides = array<i32>} : memref<144x256xf32, #tpu.memory_space<vmem>>, vector<16xf32>,
        %max3A_388 = arith.maximumf %while3A_361, %get3A_387 : vector<16xf32>
        %get3A_389 = arith.index_cast %while3A_357 : i32 to index
        %get3A_390 = arith.constant 64 : index
        %get3A_391 = tpu.vector_load %arg8[%get3A_389, %get3A_390] {strides = array<i32>} : memref<144x256xf32, #tpu.memory_space<vmem>>, vector<16xf32>,
        %max3A_392 = arith.maximumf %while3A_362, %get3A_391 : vector<16xf32>
        %get3A_393 = arith.index_cast %while3A_357 : i32 to index
        %get3A_394 = arith.constant 80 : index
        %get3A_395 = tpu.vector_load %arg8[%get3A_393, %get3A_394] {strides = array<i32>} : memref<144x256xf32, #tpu.memory_space<vmem>>, vector<16xf32>,
        %max3A_396 = arith.maximumf %while3A_363, %get3A_395 : vector<16xf32>
        %get3A_397 = arith.index_cast %while3A_357 : i32 to index
        %get3A_398 = arith.constant 96 : index
        %get3A_399 = tpu.vector_load %arg8[%get3A_397, %get3A_398] {strides = array<i32>} : memref<144x256xf32, #tpu.memory_space<vmem>>, vector<16xf32>,
        %max3A_400 = arith.maximumf %while3A_364, %get3A_399 : vector<16xf32>
        %get3A_401 = arith.index_cast %while3A_357 : i32 to index
        %get3A_402 = arith.constant 112 : index
        %get3A_403 = tpu.vector_load %arg8[%get3A_401, %get3A_402] {strides = array<i32>} : memref<144x256xf32, #tpu.memory_space<vmem>>, vector<16xf32>,
        %max3A_404 = arith.maximumf %while3A_365, %get3A_403 : vector<16xf32>
        %get3A_405 = arith.index_cast %while3A_357 : i32 to index
        %get3A_406 = arith.constant 128 : index
        %get3A_407 = tpu.vector_load %arg8[%get3A_405, %get3A_406] {strides = array<i32>} : memref<144x256xf32, #tpu.memory_space<vmem>>, vector<16xf32>,
        %max3A_408 = arith.maximumf %while3A_366, %get3A_407 : vector<16xf32>
        %get3A_409 = arith.index_cast %while3A_357 : i32 to index
        %get3A_410 = arith.constant 144 : index
        %get3A_411 = tpu.vector_load %arg8[%get3A_409, %get3A_410] {strides = array<i32>} : memref<144x256xf32, #tpu.memory_space<vmem>>, vector<16xf32>,
        %max3A_412 = arith.maximumf %while3A_367, %get3A_411 : vector<16xf32>
        %get3A_413 = arith.index_cast %while3A_357 : i32 to index
        %get3A_414 = arith.constant 160 : index
        %get3A_415 = tpu.vector_load %arg8[%get3A_413, %get3A_414] {strides = array<i32>} : memref<144x256xf32, #tpu.memory_space<vmem>>, vector<16xf32>,
        %max3A_416 = arith.maximumf %while3A_368, %get3A_415 : vector<16xf32>
        %get3A_417 = arith.index_cast %while3A_357 : i32 to index
        %get3A_418 = arith.constant 176 : index
        %get3A_419 = tpu.vector_load %arg8[%get3A_417, %get3A_418] {strides = array<i32>} : memref<144x256xf32, #tpu.memory_space<vmem>>, vector<16xf32>,
        %max3A_420 = arith.maximumf %while3A_369, %get3A_419 : vector<16xf32>
        %get3A_421 = arith.index_cast %while3A_357 : i32 to index
        %get3A_422 = arith.constant 192 : index
        %get3A_423 = tpu.vector_load %arg8[%get3A_421, %get3A_422] {strides = array<i32>} : memref<144x256xf32, #tpu.memory_space<vmem>>, vector<16xf32>,
        %max3A_424 = arith.maximumf %while3A_370, %get3A_423 : vector<16xf32>
        %get3A_425 = arith.index_cast %while3A_357 : i32 to index
        %get3A_426 = arith.constant 208 : index
        %get3A_427 = tpu.vector_load %arg8[%get3A_425, %get3A_426] {strides = array<i32>} : memref<144x256xf32, #tpu.memory_space<vmem>>, vector<16xf32>,
        %max3A_428 = arith.maximumf %while3A_371, %get3A_427 : vector<16xf32>
        %get3A_429 = arith.index_cast %while3A_357 : i32 to index
        %get3A_430 = arith.constant 224 : index
        %get3A_431 = tpu.vector_load %arg8[%get3A_429, %get3A_430] {strides = array<i32>} : memref<144x256xf32, #tpu.memory_space<vmem>>, vector<16xf32>,
        %max3A_432 = arith.maximumf %while3A_372, %get3A_431 : vector<16xf32>
        %get3A_433 = arith.index_cast %while3A_357 : i32 to index
        %get3A_434 = arith.constant 240 : index
        %get3A_435 = tpu.vector_load %arg8[%get3A_433, %get3A_434] {strides = array<i32>} : memref<144x256xf32, #tpu.memory_space<vmem>>, vector<16xf32>,
        %max3A_436 = arith.maximumf %while3A_373, %get3A_435 : vector<16xf32>
        scf.yield %max3A_376, %max3A_380, %max3A_384, %max3A_388, %max3A_392, %max3A_396, %max3A_400, %max3A_404, %max3A_408, %max3A_412, %max3A_416, %max3A_420, %max3A_424, %max3A_428, %max3A_432, %max3A_436 : vector<16xf32>, vector<16xf32>, vector<16xf32>, vector<16xf32>, vector<16xf32>, vector<16xf32>, vector<16xf32>, vector<16xf32>, vector<16xf32>, vector<16xf32>, vector<16xf32>, vector<16xf32>, vector<16xf32>, vector<16xf32>, vector<16xf32>, vector<16xf32>
      }
      %while3A_339 = arith.constant 1 : i32
      %while3A_340:16 = scf.for %while3A_357 = %while3A_336 to %while3A_332 step %while3A_339 iter_args(%while3A_358 = %while3A_338#0, %while3A_359 = %while3A_338#1, %while3A_360 = %while3A_338#2, %while3A_361 = %while3A_338#3, %while3A_362 = %while3A_338#4, %while3A_363 = %while3A_338#5, %while3A_364 = %while3A_338#6, %while3A_365 = %while3A_338#7, %while3A_366 = %while3A_338#8, %while3A_367 = %while3A_338#9, %while3A_368 = %while3A_338#10, %while3A_369 = %while3A_338#11, %while3A_370 = %while3A_338#12, %while3A_371 = %while3A_338#13, %while3A_372 = %while3A_338#14, %while3A_373 = %while3A_338#15) -> (vector<16xf32>, vector<16xf32>, vector<16xf32>, vector<16xf32>, vector<16xf32>, vector<16xf32>, vector<16xf32>, vector<16xf32>, vector<16xf32>, vector<16xf32>, vector<16xf32>, vector<16xf32>, vector<16xf32>, vector<16xf32>, vector<16xf32>, vector<16xf32>)  : i32 {
        %get3A = arith.index_cast %while3A_357 : i32 to index
        %get3A_374 = arith.constant 0 : index
        %get3A_375 = tpu.vector_load %arg8[%get3A, %get3A_374] {strides = array<i32>} : memref<144x256xf32, #tpu.memory_space<vmem>>, vector<16xf32>,
        %max3A_376 = arith.maximumf %while3A_358, %get3A_375 : vector<16xf32>
        %get3A_377 = arith.index_cast %while3A_357 : i32 to index
        %get3A_378 = arith.constant 16 : index
        %get3A_379 = tpu.vector_load %arg8[%get3A_377, %get3A_378] {strides = array<i32>} : memref<144x256xf32, #tpu.memory_space<vmem>>, vector<16xf32>,
        %max3A_380 = arith.maximumf %while3A_359, %get3A_379 : vector<16xf32>
        %get3A_381 = arith.index_cast %while3A_357 : i32 to index
        %get3A_382 = arith.constant 32 : index
        %get3A_383 = tpu.vector_load %arg8[%get3A_381, %get3A_382] {strides = array<i32>} : memref<144x256xf32, #tpu.memory_space<vmem>>, vector<16xf32>,
        %max3A_384 = arith.maximumf %while3A_360, %get3A_383 : vector<16xf32>
        %get3A_385 = arith.index_cast %while3A_357 : i32 to index
        %get3A_386 = arith.constant 48 : index
        %get3A_387 = tpu.vector_load %arg8[%get3A_385, %get3A_386] {strides = array<i32>} : memref<144x256xf32, #tpu.memory_space<vmem>>, vector<16xf32>,
        %max3A_388 = arith.maximumf %while3A_361, %get3A_387 : vector<16xf32>
        %get3A_389 = arith.index_cast %while3A_357 : i32 to index
        %get3A_390 = arith.constant 64 : index
        %get3A_391 = tpu.vector_load %arg8[%get3A_389, %get3A_390] {strides = array<i32>} : memref<144x256xf32, #tpu.memory_space<vmem>>, vector<16xf32>,
        %max3A_392 = arith.maximumf %while3A_362, %get3A_391 : vector<16xf32>
        %get3A_393 = arith.index_cast %while3A_357 : i32 to index
        %get3A_394 = arith.constant 80 : index
        %get3A_395 = tpu.vector_load %arg8[%get3A_393, %get3A_394] {strides = array<i32>} : memref<144x256xf32, #tpu.memory_space<vmem>>, vector<16xf32>,
        %max3A_396 = arith.maximumf %while3A_363, %get3A_395 : vector<16xf32>
        %get3A_397 = arith.index_cast %while3A_357 : i32 to index
        %get3A_398 = arith.constant 96 : index
        %get3A_399 = tpu.vector_load %arg8[%get3A_397, %get3A_398] {strides = array<i32>} : memref<144x256xf32, #tpu.memory_space<vmem>>, vector<16xf32>,
        %max3A_400 = arith.maximumf %while3A_364, %get3A_399 : vector<16xf32>
        %get3A_401 = arith.index_cast %while3A_357 : i32 to index
        %get3A_402 = arith.constant 112 : index
        %get3A_403 = tpu.vector_load %arg8[%get3A_401, %get3A_402] {strides = array<i32>} : memref<144x256xf32, #tpu.memory_space<vmem>>, vector<16xf32>,
        %max3A_404 = arith.maximumf %while3A_365, %get3A_403 : vector<16xf32>
        %get3A_405 = arith.index_cast %while3A_357 : i32 to index
        %get3A_406 = arith.constant 128 : index
        %get3A_407 = tpu.vector_load %arg8[%get3A_405, %get3A_406] {strides = array<i32>} : memref<144x256xf32, #tpu.memory_space<vmem>>, vector<16xf32>,
        %max3A_408 = arith.maximumf %while3A_366, %get3A_407 : vector<16xf32>
        %get3A_409 = arith.index_cast %while3A_357 : i32 to index
        %get3A_410 = arith.constant 144 : index
        %get3A_411 = tpu.vector_load %arg8[%get3A_409, %get3A_410] {strides = array<i32>} : memref<144x256xf32, #tpu.memory_space<vmem>>, vector<16xf32>,
        %max3A_412 = arith.maximumf %while3A_367, %get3A_411 : vector<16xf32>
        %get3A_413 = arith.index_cast %while3A_357 : i32 to index
        %get3A_414 = arith.constant 160 : index
        %get3A_415 = tpu.vector_load %arg8[%get3A_413, %get3A_414] {strides = array<i32>} : memref<144x256xf32, #tpu.memory_space<vmem>>, vector<16xf32>,
        %max3A_416 = arith.maximumf %while3A_368, %get3A_415 : vector<16xf32>
        %get3A_417 = arith.index_cast %while3A_357 : i32 to index
        %get3A_418 = arith.constant 176 : index
        %get3A_419 = tpu.vector_load %arg8[%get3A_417, %get3A_418] {strides = array<i32>} : memref<144x256xf32, #tpu.memory_space<vmem>>, vector<16xf32>,
        %max3A_420 = arith.maximumf %while3A_369, %get3A_419 : vector<16xf32>
        %get3A_421 = arith.index_cast %while3A_357 : i32 to index
        %get3A_422 = arith.constant 192 : index
        %get3A_423 = tpu.vector_load %arg8[%get3A_421, %get3A_422] {strides = array<i32>} : memref<144x256xf32, #tpu.memory_space<vmem>>, vector<16xf32>,
        %max3A_424 = arith.maximumf %while3A_370, %get3A_423 : vector<16xf32>
        %get3A_425 = arith.index_cast %while3A_357 : i32 to index
        %get3A_426 = arith.constant 208 : index
        %get3A_427 = tpu.vector_load %arg8[%get3A_425, %get3A_426] {strides = array<i32>} : memref<144x256xf32, #tpu.memory_space<vmem>>, vector<16xf32>,
        %max3A_428 = arith.maximumf %while3A_371, %get3A_427 : vector<16xf32>
        %get3A_429 = arith.index_cast %while3A_357 : i32 to index
        %get3A_430 = arith.constant 224 : index
        %get3A_431 = tpu.vector_load %arg8[%get3A_429, %get3A_430] {strides = array<i32>} : memref<144x256xf32, #tpu.memory_space<vmem>>, vector<16xf32>,
        %max3A_432 = arith.maximumf %while3A_372, %get3A_431 : vector<16xf32>
        %get3A_433 = arith.index_cast %while3A_357 : i32 to index
        %get3A_434 = arith.constant 240 : index
        %get3A_435 = tpu.vector_load %arg8[%get3A_433, %get3A_434] {strides = array<i32>} : memref<144x256xf32, #tpu.memory_space<vmem>>, vector<16xf32>,
        %max3A_436 = arith.maximumf %while3A_373, %get3A_435 : vector<16xf32>
        scf.yield %max3A_376, %max3A_380, %max3A_384, %max3A_388, %max3A_392, %max3A_396, %max3A_400, %max3A_404, %max3A_408, %max3A_412, %max3A_416, %max3A_420, %max3A_424, %max3A_428, %max3A_432, %max3A_436 : vector<16xf32>, vector<16xf32>, vector<16xf32>, vector<16xf32>, vector<16xf32>, vector<16xf32>, vector<16xf32>, vector<16xf32>, vector<16xf32>, vector<16xf32>, vector<16xf32>, vector<16xf32>, vector<16xf32>, vector<16xf32>, vector<16xf32>, vector<16xf32>
      }
      %while3A_341 = arith.subi %select_n3A_330, %select_n3A_323 : i32
      %while3A_342 = arith.addi %select_n3A_323, %while3A_341 : i32
      %while3A_343 = arith.constant 1 : i32
      %while3A_344 = arith.divsi %while3A_341, %while3A_343 : i32
      %while3A_345 = arith.muli %while3A_344, %while3A_343 : i32
      %while3A_346 = arith.addi %select_n3A_323, %while3A_345 : i32
      %while3A_347 = arith.constant 1 : i32
      %while3A_348:16 = scf.for %while3A_357 = %select_n3A_323 to %while3A_346 step %while3A_347 iter_args(%while3A_358 = %while3A_285#0, %while3A_359 = %while3A_285#1, %while3A_360 = %while3A_285#2, %while3A_361 = %while3A_285#3, %while3A_362 = %while3A_285#4, %while3A_363 = %while3A_285#5, %while3A_364 = %while3A_285#6, %while3A_365 = %while3A_285#7, %while3A_366 = %while3A_285#8, %while3A_367 = %while3A_285#9, %while3A_368 = %while3A_285#10, %while3A_369 = %while3A_285#11, %while3A_370 = %while3A_285#12, %while3A_371 = %while3A_285#13, %while3A_372 = %while3A_285#14, %while3A_373 = %while3A_285#15) -> (vector<16xf32>, vector<16xf32>, vector<16xf32>, vector<16xf32>, vector<16xf32>, vector<16xf32>, vector<16xf32>, vector<16xf32>, vector<16xf32>, vector<16xf32>, vector<16xf32>, vector<16xf32>, vector<16xf32>, vector<16xf32>, vector<16xf32>, vector<16xf32>)  : i32 {
        %get3A = arith.index_cast %while3A_357 : i32 to index
        %get3A_374 = arith.constant 0 : index
        %get3A_375 = tpu.vector_load %arg8[%get3A, %get3A_374] {strides = array<i32>} : memref<144x256xf32, #tpu.memory_space<vmem>>, vector<16xf32>,
        %max3A_376 = arith.maximumf %while3A_358, %get3A_375 : vector<16xf32>
        %get3A_377 = arith.index_cast %while3A_357 : i32 to index
        %get3A_378 = arith.constant 16 : index
        %get3A_379 = tpu.vector_load %arg8[%get3A_377, %get3A_378] {strides = array<i32>} : memref<144x256xf32, #tpu.memory_space<vmem>>, vector<16xf32>,
        %max3A_380 = arith.maximumf %while3A_359, %get3A_379 : vector<16xf32>
        %get3A_381 = arith.index_cast %while3A_357 : i32 to index
        %get3A_382 = arith.constant 32 : index
        %get3A_383 = tpu.vector_load %arg8[%get3A_381, %get3A_382] {strides = array<i32>} : memref<144x256xf32, #tpu.memory_space<vmem>>, vector<16xf32>,
        %max3A_384 = arith.maximumf %while3A_360, %get3A_383 : vector<16xf32>
        %get3A_385 = arith.index_cast %while3A_357 : i32 to index
        %get3A_386 = arith.constant 48 : index
        %get3A_387 = tpu.vector_load %arg8[%get3A_385, %get3A_386] {strides = array<i32>} : memref<144x256xf32, #tpu.memory_space<vmem>>, vector<16xf32>,
        %max3A_388 = arith.maximumf %while3A_361, %get3A_387 : vector<16xf32>
        %get3A_389 = arith.index_cast %while3A_357 : i32 to index
        %get3A_390 = arith.constant 64 : index
        %get3A_391 = tpu.vector_load %arg8[%get3A_389, %get3A_390] {strides = array<i32>} : memref<144x256xf32, #tpu.memory_space<vmem>>, vector<16xf32>,
        %max3A_392 = arith.maximumf %while3A_362, %get3A_391 : vector<16xf32>
        %get3A_393 = arith.index_cast %while3A_357 : i32 to index
        %get3A_394 = arith.constant 80 : index
        %get3A_395 = tpu.vector_load %arg8[%get3A_393, %get3A_394] {strides = array<i32>} : memref<144x256xf32, #tpu.memory_space<vmem>>, vector<16xf32>,
        %max3A_396 = arith.maximumf %while3A_363, %get3A_395 : vector<16xf32>
        %get3A_397 = arith.index_cast %while3A_357 : i32 to index
        %get3A_398 = arith.constant 96 : index
        %get3A_399 = tpu.vector_load %arg8[%get3A_397, %get3A_398] {strides = array<i32>} : memref<144x256xf32, #tpu.memory_space<vmem>>, vector<16xf32>,
        %max3A_400 = arith.maximumf %while3A_364, %get3A_399 : vector<16xf32>
        %get3A_401 = arith.index_cast %while3A_357 : i32 to index
        %get3A_402 = arith.constant 112 : index
        %get3A_403 = tpu.vector_load %arg8[%get3A_401, %get3A_402] {strides = array<i32>} : memref<144x256xf32, #tpu.memory_space<vmem>>, vector<16xf32>,
        %max3A_404 = arith.maximumf %while3A_365, %get3A_403 : vector<16xf32>
        %get3A_405 = arith.index_cast %while3A_357 : i32 to index
        %get3A_406 = arith.constant 128 : index
        %get3A_407 = tpu.vector_load %arg8[%get3A_405, %get3A_406] {strides = array<i32>} : memref<144x256xf32, #tpu.memory_space<vmem>>, vector<16xf32>,
        %max3A_408 = arith.maximumf %while3A_366, %get3A_407 : vector<16xf32>
        %get3A_409 = arith.index_cast %while3A_357 : i32 to index
        %get3A_410 = arith.constant 144 : index
        %get3A_411 = tpu.vector_load %arg8[%get3A_409, %get3A_410] {strides = array<i32>} : memref<144x256xf32, #tpu.memory_space<vmem>>, vector<16xf32>,
        %max3A_412 = arith.maximumf %while3A_367, %get3A_411 : vector<16xf32>
        %get3A_413 = arith.index_cast %while3A_357 : i32 to index
        %get3A_414 = arith.constant 160 : index
        %get3A_415 = tpu.vector_load %arg8[%get3A_413, %get3A_414] {strides = array<i32>} : memref<144x256xf32, #tpu.memory_space<vmem>>, vector<16xf32>,
        %max3A_416 = arith.maximumf %while3A_368, %get3A_415 : vector<16xf32>
        %get3A_417 = arith.index_cast %while3A_357 : i32 to index
        %get3A_418 = arith.constant 176 : index
        %get3A_419 = tpu.vector_load %arg8[%get3A_417, %get3A_418] {strides = array<i32>} : memref<144x256xf32, #tpu.memory_space<vmem>>, vector<16xf32>,
        %max3A_420 = arith.maximumf %while3A_369, %get3A_419 : vector<16xf32>
        %get3A_421 = arith.index_cast %while3A_357 : i32 to index
        %get3A_422 = arith.constant 192 : index
        %get3A_423 = tpu.vector_load %arg8[%get3A_421, %get3A_422] {strides = array<i32>} : memref<144x256xf32, #tpu.memory_space<vmem>>, vector<16xf32>,
        %max3A_424 = arith.maximumf %while3A_370, %get3A_423 : vector<16xf32>
        %get3A_425 = arith.index_cast %while3A_357 : i32 to index
        %get3A_426 = arith.constant 208 : index
        %get3A_427 = tpu.vector_load %arg8[%get3A_425, %get3A_426] {strides = array<i32>} : memref<144x256xf32, #tpu.memory_space<vmem>>, vector<16xf32>,
        %max3A_428 = arith.maximumf %while3A_371, %get3A_427 : vector<16xf32>
        %get3A_429 = arith.index_cast %while3A_357 : i32 to index
        %get3A_430 = arith.constant 224 : index
        %get3A_431 = tpu.vector_load %arg8[%get3A_429, %get3A_430] {strides = array<i32>} : memref<144x256xf32, #tpu.memory_space<vmem>>, vector<16xf32>,
        %max3A_432 = arith.maximumf %while3A_372, %get3A_431 : vector<16xf32>
        %get3A_433 = arith.index_cast %while3A_357 : i32 to index
        %get3A_434 = arith.constant 240 : index
        %get3A_435 = tpu.vector_load %arg8[%get3A_433, %get3A_434] {strides = array<i32>} : memref<144x256xf32, #tpu.memory_space<vmem>>, vector<16xf32>,
        %max3A_436 = arith.maximumf %while3A_373, %get3A_435 : vector<16xf32>
        scf.yield %max3A_376, %max3A_380, %max3A_384, %max3A_388, %max3A_392, %max3A_396, %max3A_400, %max3A_404, %max3A_408, %max3A_412, %max3A_416, %max3A_420, %max3A_424, %max3A_428, %max3A_432, %max3A_436 : vector<16xf32>, vector<16xf32>, vector<16xf32>, vector<16xf32>, vector<16xf32>, vector<16xf32>, vector<16xf32>, vector<16xf32>, vector<16xf32>, vector<16xf32>, vector<16xf32>, vector<16xf32>, vector<16xf32>, vector<16xf32>, vector<16xf32>, vector<16xf32>
      }
      %while3A_349 = arith.constant 1 : i32
      %while3A_350:16 = scf.for %while3A_357 = %while3A_346 to %while3A_342 step %while3A_349 iter_args(%while3A_358 = %while3A_348#0, %while3A_359 = %while3A_348#1, %while3A_360 = %while3A_348#2, %while3A_361 = %while3A_348#3, %while3A_362 = %while3A_348#4, %while3A_363 = %while3A_348#5, %while3A_364 = %while3A_348#6, %while3A_365 = %while3A_348#7, %while3A_366 = %while3A_348#8, %while3A_367 = %while3A_348#9, %while3A_368 = %while3A_348#10, %while3A_369 = %while3A_348#11, %while3A_370 = %while3A_348#12, %while3A_371 = %while3A_348#13, %while3A_372 = %while3A_348#14, %while3A_373 = %while3A_348#15) -> (vector<16xf32>, vector<16xf32>, vector<16xf32>, vector<16xf32>, vector<16xf32>, vector<16xf32>, vector<16xf32>, vector<16xf32>, vector<16xf32>, vector<16xf32>, vector<16xf32>, vector<16xf32>, vector<16xf32>, vector<16xf32>, vector<16xf32>, vector<16xf32>)  : i32 {
        %get3A = arith.index_cast %while3A_357 : i32 to index
        %get3A_374 = arith.constant 0 : index
        %get3A_375 = tpu.vector_load %arg8[%get3A, %get3A_374] {strides = array<i32>} : memref<144x256xf32, #tpu.memory_space<vmem>>, vector<16xf32>,
        %max3A_376 = arith.maximumf %while3A_358, %get3A_375 : vector<16xf32>
        %get3A_377 = arith.index_cast %while3A_357 : i32 to index
        %get3A_378 = arith.constant 16 : index
        %get3A_379 = tpu.vector_load %arg8[%get3A_377, %get3A_378] {strides = array<i32>} : memref<144x256xf32, #tpu.memory_space<vmem>>, vector<16xf32>,
        %max3A_380 = arith.maximumf %while3A_359, %get3A_379 : vector<16xf32>
        %get3A_381 = arith.index_cast %while3A_357 : i32 to index
        %get3A_382 = arith.constant 32 : index
        %get3A_383 = tpu.vector_load %arg8[%get3A_381, %get3A_382] {strides = array<i32>} : memref<144x256xf32, #tpu.memory_space<vmem>>, vector<16xf32>,
        %max3A_384 = arith.maximumf %while3A_360, %get3A_383 : vector<16xf32>
        %get3A_385 = arith.index_cast %while3A_357 : i32 to index
        %get3A_386 = arith.constant 48 : index
        %get3A_387 = tpu.vector_load %arg8[%get3A_385, %get3A_386] {strides = array<i32>} : memref<144x256xf32, #tpu.memory_space<vmem>>, vector<16xf32>,
        %max3A_388 = arith.maximumf %while3A_361, %get3A_387 : vector<16xf32>
        %get3A_389 = arith.index_cast %while3A_357 : i32 to index
        %get3A_390 = arith.constant 64 : index
        %get3A_391 = tpu.vector_load %arg8[%get3A_389, %get3A_390] {strides = array<i32>} : memref<144x256xf32, #tpu.memory_space<vmem>>, vector<16xf32>,
        %max3A_392 = arith.maximumf %while3A_362, %get3A_391 : vector<16xf32>
        %get3A_393 = arith.index_cast %while3A_357 : i32 to index
        %get3A_394 = arith.constant 80 : index
        %get3A_395 = tpu.vector_load %arg8[%get3A_393, %get3A_394] {strides = array<i32>} : memref<144x256xf32, #tpu.memory_space<vmem>>, vector<16xf32>,
        %max3A_396 = arith.maximumf %while3A_363, %get3A_395 : vector<16xf32>
        %get3A_397 = arith.index_cast %while3A_357 : i32 to index
        %get3A_398 = arith.constant 96 : index
        %get3A_399 = tpu.vector_load %arg8[%get3A_397, %get3A_398] {strides = array<i32>} : memref<144x256xf32, #tpu.memory_space<vmem>>, vector<16xf32>,
        %max3A_400 = arith.maximumf %while3A_364, %get3A_399 : vector<16xf32>
        %get3A_401 = arith.index_cast %while3A_357 : i32 to index
        %get3A_402 = arith.constant 112 : index
        %get3A_403 = tpu.vector_load %arg8[%get3A_401, %get3A_402] {strides = array<i32>} : memref<144x256xf32, #tpu.memory_space<vmem>>, vector<16xf32>,
        %max3A_404 = arith.maximumf %while3A_365, %get3A_403 : vector<16xf32>
        %get3A_405 = arith.index_cast %while3A_357 : i32 to index
        %get3A_406 = arith.constant 128 : index
        %get3A_407 = tpu.vector_load %arg8[%get3A_405, %get3A_406] {strides = array<i32>} : memref<144x256xf32, #tpu.memory_space<vmem>>, vector<16xf32>,
        %max3A_408 = arith.maximumf %while3A_366, %get3A_407 : vector<16xf32>
        %get3A_409 = arith.index_cast %while3A_357 : i32 to index
        %get3A_410 = arith.constant 144 : index
        %get3A_411 = tpu.vector_load %arg8[%get3A_409, %get3A_410] {strides = array<i32>} : memref<144x256xf32, #tpu.memory_space<vmem>>, vector<16xf32>,
        %max3A_412 = arith.maximumf %while3A_367, %get3A_411 : vector<16xf32>
        %get3A_413 = arith.index_cast %while3A_357 : i32 to index
        %get3A_414 = arith.constant 160 : index
        %get3A_415 = tpu.vector_load %arg8[%get3A_413, %get3A_414] {strides = array<i32>} : memref<144x256xf32, #tpu.memory_space<vmem>>, vector<16xf32>,
        %max3A_416 = arith.maximumf %while3A_368, %get3A_415 : vector<16xf32>
        %get3A_417 = arith.index_cast %while3A_357 : i32 to index
        %get3A_418 = arith.constant 176 : index
        %get3A_419 = tpu.vector_load %arg8[%get3A_417, %get3A_418] {strides = array<i32>} : memref<144x256xf32, #tpu.memory_space<vmem>>, vector<16xf32>,
        %max3A_420 = arith.maximumf %while3A_369, %get3A_419 : vector<16xf32>
        %get3A_421 = arith.index_cast %while3A_357 : i32 to index
        %get3A_422 = arith.constant 192 : index
        %get3A_423 = tpu.vector_load %arg8[%get3A_421, %get3A_422] {strides = array<i32>} : memref<144x256xf32, #tpu.memory_space<vmem>>, vector<16xf32>,
        %max3A_424 = arith.maximumf %while3A_370, %get3A_423 : vector<16xf32>
        %get3A_425 = arith.index_cast %while3A_357 : i32 to index
        %get3A_426 = arith.constant 208 : index
        %get3A_427 = tpu.vector_load %arg8[%get3A_425, %get3A_426] {strides = array<i32>} : memref<144x256xf32, #tpu.memory_space<vmem>>, vector<16xf32>,
        %max3A_428 = arith.maximumf %while3A_371, %get3A_427 : vector<16xf32>
        %get3A_429 = arith.index_cast %while3A_357 : i32 to index
        %get3A_430 = arith.constant 224 : index
        %get3A_431 = tpu.vector_load %arg8[%get3A_429, %get3A_430] {strides = array<i32>} : memref<144x256xf32, #tpu.memory_space<vmem>>, vector<16xf32>,
        %max3A_432 = arith.maximumf %while3A_372, %get3A_431 : vector<16xf32>
        %get3A_433 = arith.index_cast %while3A_357 : i32 to index
        %get3A_434 = arith.constant 240 : index
        %get3A_435 = tpu.vector_load %arg8[%get3A_433, %get3A_434] {strides = array<i32>} : memref<144x256xf32, #tpu.memory_space<vmem>>, vector<16xf32>,
        %max3A_436 = arith.maximumf %while3A_373, %get3A_435 : vector<16xf32>
        scf.yield %max3A_376, %max3A_380, %max3A_384, %max3A_388, %max3A_392, %max3A_396, %max3A_400, %max3A_404, %max3A_408, %max3A_412, %max3A_416, %max3A_420, %max3A_424, %max3A_428, %max3A_432, %max3A_436 : vector<16xf32>, vector<16xf32>, vector<16xf32>, vector<16xf32>, vector<16xf32>, vector<16xf32>, vector<16xf32>, vector<16xf32>, vector<16xf32>, vector<16xf32>, vector<16xf32>, vector<16xf32>, vector<16xf32>, vector<16xf32>, vector<16xf32>, vector<16xf32>
      }
      %add3A_351 = arith.constant 2 : i32
      %add3A_352 = arith.addi %add3A_295, %add3A_351 : i32
      %lt3A_353 = arith.cmpi slt, %add3A_352, %select_n3A_85 : i32
      %convert_element_type3A_354 = arith.extui %lt3A_353 : i1 to i32
      %cond3A_355 = arith.constant 0 : i32
      %cond3A_356 = arith.cmpi ne, %convert_element_type3A_354, %cond3A_355 : i32
      scf.if %cond3A_356 {
        %add3A_357 = arith.constant 2 : i32
        %add3A_358 = arith.addi %add3A_295, %add3A_357 : i32
        %mul3A_359 = arith.constant 144 : i32
        %mul3A_360 = arith.muli %add3A_358, %mul3A_359 : i32
        %add3A_361 = arith.addi %and3A_57, %mul3A_360 : i32
        %sub3A_362 = arith.constant 144 : i32
        %sub3A_363 = arith.subi %and3A_61, %sub3A_362 : i32
        %min3A_364 = arith.minsi %add3A_361, %sub3A_363 : i32
        %max3A_365 = arith.constant 0 : i32
        %max3A_366 = arith.maxsi %max3A_365, %min3A_364 : i32
        %multiple_of3A_367 = tpu.assume_multiple %max3A_366, 8 : i32
        %dma_start3A = arith.constant 0 : i32
        %dma_start3A_368 = tpu.memref_slice %arg2[%multiple_of3A_367, %dma_start3A] : memref<50000x256xf32, #tpu.memory_space<hbm>> -> memref<144x256xf32, #tpu.memory_space<hbm>>
        %dma_start3A_369 = arith.constant 0 : i32
        %dma_start3A_370 = tpu.memref_slice %arg2[%multiple_of3A_367, %dma_start3A_369] : memref<50000x256xf32, #tpu.memory_space<hbm>> -> memref<144x256xf32, #tpu.memory_space<hbm>>
        tpu.enqueue_dma source(%dma_start3A_370 : memref<144x256xf32, #tpu.memory_space<hbm>>) target(%arg8 : memref<144x256xf32, #tpu.memory_space<vmem>>) target_semaphore(%arg11 : memref<!tpu.dma_semaphore, #tpu.memory_space<semaphore_mem>>)
      } else {
      }
      scf.yield %while3A_340#0, %while3A_340#1, %while3A_340#2, %while3A_340#3, %while3A_340#4, %while3A_340#5, %while3A_340#6, %while3A_340#7, %while3A_340#8, %while3A_340#9, %while3A_340#10, %while3A_340#11, %while3A_340#12, %while3A_340#13, %while3A_340#14, %while3A_340#15, %while3A_350#0, %while3A_350#1, %while3A_350#2, %while3A_350#3, %while3A_350#4, %while3A_350#5, %while3A_350#6, %while3A_350#7, %while3A_350#8, %while3A_350#9, %while3A_350#10, %while3A_350#11, %while3A_350#12, %while3A_350#13, %while3A_350#14, %while3A_350#15 : vector<16xf32>, vector<16xf32>, vector<16xf32>, vector<16xf32>, vector<16xf32>, vector<16xf32>, vector<16xf32>, vector<16xf32>, vector<16xf32>, vector<16xf32>, vector<16xf32>, vector<16xf32>, vector<16xf32>, vector<16xf32>, vector<16xf32>, vector<16xf32>, vector<16xf32>, vector<16xf32>, vector<16xf32>, vector<16xf32>, vector<16xf32>, vector<16xf32>, vector<16xf32>, vector<16xf32>, vector<16xf32>, vector<16xf32>, vector<16xf32>, vector<16xf32>, vector<16xf32>, vector<16xf32>, vector<16xf32>, vector<16xf32>
    }
    %swap3A = arith.constant 0 : index
    %swap3A_133 = tpu.vector_load %arg9[%swap3A] {strides = array<i32>} : memref<512xf32, #tpu.memory_space<vmem>>, vector<16xf32>,
    tpu.vector_store %arg9[%swap3A], %while3A_132#0 {strides = array<i32>} : memref<512xf32, #tpu.memory_space<vmem>>, vector<16xf32>,
    %swap3A_134 = arith.constant 256 : index
    %swap3A_135 = tpu.vector_load %arg9[%swap3A_134] {strides = array<i32>} : memref<512xf32, #tpu.memory_space<vmem>>, vector<16xf32>,
    tpu.vector_store %arg9[%swap3A_134], %while3A_132#16 {strides = array<i32>} : memref<512xf32, #tpu.memory_space<vmem>>, vector<16xf32>,
    %swap3A_136 = arith.constant 16 : index
    %swap3A_137 = tpu.vector_load %arg9[%swap3A_136] {strides = array<i32>} : memref<512xf32, #tpu.memory_space<vmem>>, vector<16xf32>,
    tpu.vector_store %arg9[%swap3A_136], %while3A_132#1 {strides = array<i32>} : memref<512xf32, #tpu.memory_space<vmem>>, vector<16xf32>,
    %swap3A_138 = arith.constant 272 : index
    %swap3A_139 = tpu.vector_load %arg9[%swap3A_138] {strides = array<i32>} : memref<512xf32, #tpu.memory_space<vmem>>, vector<16xf32>,
    tpu.vector_store %arg9[%swap3A_138], %while3A_132#17 {strides = array<i32>} : memref<512xf32, #tpu.memory_space<vmem>>, vector<16xf32>,
    %swap3A_140 = arith.constant 32 : index
    %swap3A_141 = tpu.vector_load %arg9[%swap3A_140] {strides = array<i32>} : memref<512xf32, #tpu.memory_space<vmem>>, vector<16xf32>,
    tpu.vector_store %arg9[%swap3A_140], %while3A_132#2 {strides = array<i32>} : memref<512xf32, #tpu.memory_space<vmem>>, vector<16xf32>,
    %swap3A_142 = arith.constant 288 : index
    %swap3A_143 = tpu.vector_load %arg9[%swap3A_142] {strides = array<i32>} : memref<512xf32, #tpu.memory_space<vmem>>, vector<16xf32>,
    tpu.vector_store %arg9[%swap3A_142], %while3A_132#18 {strides = array<i32>} : memref<512xf32, #tpu.memory_space<vmem>>, vector<16xf32>,
    %swap3A_144 = arith.constant 48 : index
    %swap3A_145 = tpu.vector_load %arg9[%swap3A_144] {strides = array<i32>} : memref<512xf32, #tpu.memory_space<vmem>>, vector<16xf32>,
    tpu.vector_store %arg9[%swap3A_144], %while3A_132#3 {strides = array<i32>} : memref<512xf32, #tpu.memory_space<vmem>>, vector<16xf32>,
    %swap3A_146 = arith.constant 304 : index
    %swap3A_147 = tpu.vector_load %arg9[%swap3A_146] {strides = array<i32>} : memref<512xf32, #tpu.memory_space<vmem>>, vector<16xf32>,
    tpu.vector_store %arg9[%swap3A_146], %while3A_132#19 {strides = array<i32>} : memref<512xf32, #tpu.memory_space<vmem>>, vector<16xf32>,
    %swap3A_148 = arith.constant 64 : index
    %swap3A_149 = tpu.vector_load %arg9[%swap3A_148] {strides = array<i32>} : memref<512xf32, #tpu.memory_space<vmem>>, vector<16xf32>,
    tpu.vector_store %arg9[%swap3A_148], %while3A_132#4 {strides = array<i32>} : memref<512xf32, #tpu.memory_space<vmem>>, vector<16xf32>,
    %swap3A_150 = arith.constant 320 : index
    %swap3A_151 = tpu.vector_load %arg9[%swap3A_150] {strides = array<i32>} : memref<512xf32, #tpu.memory_space<vmem>>, vector<16xf32>,
    tpu.vector_store %arg9[%swap3A_150], %while3A_132#20 {strides = array<i32>} : memref<512xf32, #tpu.memory_space<vmem>>, vector<16xf32>,
    %swap3A_152 = arith.constant 80 : index
    %swap3A_153 = tpu.vector_load %arg9[%swap3A_152] {strides = array<i32>} : memref<512xf32, #tpu.memory_space<vmem>>, vector<16xf32>,
    tpu.vector_store %arg9[%swap3A_152], %while3A_132#5 {strides = array<i32>} : memref<512xf32, #tpu.memory_space<vmem>>, vector<16xf32>,
    %swap3A_154 = arith.constant 336 : index
    %swap3A_155 = tpu.vector_load %arg9[%swap3A_154] {strides = array<i32>} : memref<512xf32, #tpu.memory_space<vmem>>, vector<16xf32>,
    tpu.vector_store %arg9[%swap3A_154], %while3A_132#21 {strides = array<i32>} : memref<512xf32, #tpu.memory_space<vmem>>, vector<16xf32>,
    %swap3A_156 = arith.constant 96 : index
    %swap3A_157 = tpu.vector_load %arg9[%swap3A_156] {strides = array<i32>} : memref<512xf32, #tpu.memory_space<vmem>>, vector<16xf32>,
    tpu.vector_store %arg9[%swap3A_156], %while3A_132#6 {strides = array<i32>} : memref<512xf32, #tpu.memory_space<vmem>>, vector<16xf32>,
    %swap3A_158 = arith.constant 352 : index
    %swap3A_159 = tpu.vector_load %arg9[%swap3A_158] {strides = array<i32>} : memref<512xf32, #tpu.memory_space<vmem>>, vector<16xf32>,
    tpu.vector_store %arg9[%swap3A_158], %while3A_132#22 {strides = array<i32>} : memref<512xf32, #tpu.memory_space<vmem>>, vector<16xf32>,
    %swap3A_160 = arith.constant 112 : index
    %swap3A_161 = tpu.vector_load %arg9[%swap3A_160] {strides = array<i32>} : memref<512xf32, #tpu.memory_space<vmem>>, vector<16xf32>,
    tpu.vector_store %arg9[%swap3A_160], %while3A_132#7 {strides = array<i32>} : memref<512xf32, #tpu.memory_space<vmem>>, vector<16xf32>,
    %swap3A_162 = arith.constant 368 : index
    %swap3A_163 = tpu.vector_load %arg9[%swap3A_162] {strides = array<i32>} : memref<512xf32, #tpu.memory_space<vmem>>, vector<16xf32>,
    tpu.vector_store %arg9[%swap3A_162], %while3A_132#23 {strides = array<i32>} : memref<512xf32, #tpu.memory_space<vmem>>, vector<16xf32>,
    %swap3A_164 = arith.constant 128 : index
    %swap3A_165 = tpu.vector_load %arg9[%swap3A_164] {strides = array<i32>} : memref<512xf32, #tpu.memory_space<vmem>>, vector<16xf32>,
    tpu.vector_store %arg9[%swap3A_164], %while3A_132#8 {strides = array<i32>} : memref<512xf32, #tpu.memory_space<vmem>>, vector<16xf32>,
    %swap3A_166 = arith.constant 384 : index
    %swap3A_167 = tpu.vector_load %arg9[%swap3A_166] {strides = array<i32>} : memref<512xf32, #tpu.memory_space<vmem>>, vector<16xf32>,
    tpu.vector_store %arg9[%swap3A_166], %while3A_132#24 {strides = array<i32>} : memref<512xf32, #tpu.memory_space<vmem>>, vector<16xf32>,
    %swap3A_168 = arith.constant 144 : index
    %swap3A_169 = tpu.vector_load %arg9[%swap3A_168] {strides = array<i32>} : memref<512xf32, #tpu.memory_space<vmem>>, vector<16xf32>,
    tpu.vector_store %arg9[%swap3A_168], %while3A_132#9 {strides = array<i32>} : memref<512xf32, #tpu.memory_space<vmem>>, vector<16xf32>,
    %swap3A_170 = arith.constant 400 : index
    %swap3A_171 = tpu.vector_load %arg9[%swap3A_170] {strides = array<i32>} : memref<512xf32, #tpu.memory_space<vmem>>, vector<16xf32>,
    tpu.vector_store %arg9[%swap3A_170], %while3A_132#25 {strides = array<i32>} : memref<512xf32, #tpu.memory_space<vmem>>, vector<16xf32>,
    %swap3A_172 = arith.constant 160 : index
    %swap3A_173 = tpu.vector_load %arg9[%swap3A_172] {strides = array<i32>} : memref<512xf32, #tpu.memory_space<vmem>>, vector<16xf32>,
    tpu.vector_store %arg9[%swap3A_172], %while3A_132#10 {strides = array<i32>} : memref<512xf32, #tpu.memory_space<vmem>>, vector<16xf32>,
    %swap3A_174 = arith.constant 416 : index
    %swap3A_175 = tpu.vector_load %arg9[%swap3A_174] {strides = array<i32>} : memref<512xf32, #tpu.memory_space<vmem>>, vector<16xf32>,
    tpu.vector_store %arg9[%swap3A_174], %while3A_132#26 {strides = array<i32>} : memref<512xf32, #tpu.memory_space<vmem>>, vector<16xf32>,
    %swap3A_176 = arith.constant 176 : index
    %swap3A_177 = tpu.vector_load %arg9[%swap3A_176] {strides = array<i32>} : memref<512xf32, #tpu.memory_space<vmem>>, vector<16xf32>,
    tpu.vector_store %arg9[%swap3A_176], %while3A_132#11 {strides = array<i32>} : memref<512xf32, #tpu.memory_space<vmem>>, vector<16xf32>,
    %swap3A_178 = arith.constant 432 : index
    %swap3A_179 = tpu.vector_load %arg9[%swap3A_178] {strides = array<i32>} : memref<512xf32, #tpu.memory_space<vmem>>, vector<16xf32>,
    tpu.vector_store %arg9[%swap3A_178], %while3A_132#27 {strides = array<i32>} : memref<512xf32, #tpu.memory_space<vmem>>, vector<16xf32>,
    %swap3A_180 = arith.constant 192 : index
    %swap3A_181 = tpu.vector_load %arg9[%swap3A_180] {strides = array<i32>} : memref<512xf32, #tpu.memory_space<vmem>>, vector<16xf32>,
    tpu.vector_store %arg9[%swap3A_180], %while3A_132#12 {strides = array<i32>} : memref<512xf32, #tpu.memory_space<vmem>>, vector<16xf32>,
    %swap3A_182 = arith.constant 448 : index
    %swap3A_183 = tpu.vector_load %arg9[%swap3A_182] {strides = array<i32>} : memref<512xf32, #tpu.memory_space<vmem>>, vector<16xf32>,
    tpu.vector_store %arg9[%swap3A_182], %while3A_132#28 {strides = array<i32>} : memref<512xf32, #tpu.memory_space<vmem>>, vector<16xf32>,
    %swap3A_184 = arith.constant 208 : index
    %swap3A_185 = tpu.vector_load %arg9[%swap3A_184] {strides = array<i32>} : memref<512xf32, #tpu.memory_space<vmem>>, vector<16xf32>,
    tpu.vector_store %arg9[%swap3A_184], %while3A_132#13 {strides = array<i32>} : memref<512xf32, #tpu.memory_space<vmem>>, vector<16xf32>,
    %swap3A_186 = arith.constant 464 : index
    %swap3A_187 = tpu.vector_load %arg9[%swap3A_186] {strides = array<i32>} : memref<512xf32, #tpu.memory_space<vmem>>, vector<16xf32>,
    tpu.vector_store %arg9[%swap3A_186], %while3A_132#29 {strides = array<i32>} : memref<512xf32, #tpu.memory_space<vmem>>, vector<16xf32>,
    %swap3A_188 = arith.constant 224 : index
    %swap3A_189 = tpu.vector_load %arg9[%swap3A_188] {strides = array<i32>} : memref<512xf32, #tpu.memory_space<vmem>>, vector<16xf32>,
    tpu.vector_store %arg9[%swap3A_188], %while3A_132#14 {strides = array<i32>} : memref<512xf32, #tpu.memory_space<vmem>>, vector<16xf32>,
    %swap3A_190 = arith.constant 480 : index
    %swap3A_191 = tpu.vector_load %arg9[%swap3A_190] {strides = array<i32>} : memref<512xf32, #tpu.memory_space<vmem>>, vector<16xf32>,
    tpu.vector_store %arg9[%swap3A_190], %while3A_132#30 {strides = array<i32>} : memref<512xf32, #tpu.memory_space<vmem>>, vector<16xf32>,
    %swap3A_192 = arith.constant 240 : index
    %swap3A_193 = tpu.vector_load %arg9[%swap3A_192] {strides = array<i32>} : memref<512xf32, #tpu.memory_space<vmem>>, vector<16xf32>,
    tpu.vector_store %arg9[%swap3A_192], %while3A_132#15 {strides = array<i32>} : memref<512xf32, #tpu.memory_space<vmem>>, vector<16xf32>,
    %swap3A_194 = arith.constant 496 : index
    %swap3A_195 = tpu.vector_load %arg9[%swap3A_194] {strides = array<i32>} : memref<512xf32, #tpu.memory_space<vmem>>, vector<16xf32>,
    tpu.vector_store %arg9[%swap3A_194], %while3A_132#31 {strides = array<i32>} : memref<512xf32, #tpu.memory_space<vmem>>, vector<16xf32>,
    %mul3A_196 = arith.constant 2 : i32
    %mul3A_197 = arith.muli %add3A, %mul3A_196 : i32
    %mul3A_198 = arith.constant 256 : i32
    %mul3A_199 = arith.muli %mul3A_197, %mul3A_198 : i32
    "tpu.region"() ({
      %run_scoped3A = tpu.sem_alloc : memref<!tpu.dma_semaphore, #tpu.memory_space<semaphore_mem>>
      %dma_start3A = tpu.memref_slice %arg4[%mul3A_199] : memref<16384xf32, #tpu.memory_space<hbm>> -> memref<512xf32, #tpu.memory_space<hbm>>
      %dma_start3A_200 = tpu.memref_slice %arg4[%mul3A_199] : memref<16384xf32, #tpu.memory_space<hbm>> -> memref<512xf32, #tpu.memory_space<hbm>>
      tpu.enqueue_dma source(%arg9 : memref<512xf32, #tpu.memory_space<vmem>>) target(%dma_start3A_200 : memref<512xf32, #tpu.memory_space<hbm>>) target_semaphore(%run_scoped3A : memref<!tpu.dma_semaphore, #tpu.memory_space<semaphore_mem>>)
      %dma_wait3A = tpu.memref_slice %arg4[%mul3A_199] : memref<16384xf32, #tpu.memory_space<hbm>> -> memref<512xf32, #tpu.memory_space<hbm>>
      %dma_wait3A_201 = tpu.memref_slice %arg4[%mul3A_199] : memref<16384xf32, #tpu.memory_space<hbm>> -> memref<512xf32, #tpu.memory_space<hbm>>
      tpu.wait_dma2 semaphore(%run_scoped3A : memref<!tpu.dma_semaphore, #tpu.memory_space<semaphore_mem>>) src(%arg9 : memref<512xf32, #tpu.memory_space<vmem>>) dst(%dma_wait3A_201 : memref<512xf32, #tpu.memory_space<hbm>>)
      tpu.yield
    }) : () -> ()
    return
  }
}

</mosaic_0001>

<sc_bundles>
// kernel: kernel.3.cloned.1.call-start
scs
__scs_entry_jumppad:
0x0: {  	(pc) =	sbr.rel $0x88, $3  }
0x1: {  	(tag) =	ssettag $0x0;
	lr =	simm.s32 $0x1  }
0x2: {  	[smem:$0x3F9F] =	sst lr;
	_ =	strace $0xD0000000  }
0x3: {  	_ = 	snop  }
0x4: {  	_ = 	snop  }
0x5: {  	_ = 	snop  }
0x6: {  	_ = 	snop  }
0x7: {  	_ = 	snop  }
__scs_overlays_trampoline_lowered:
0x8: {  	[smem:$0x3FAE] =	sst s0  }
0x9: {  	[smem:$0x3FAF] =	sst s1  }
0xa: {  	[smem:$0x3FB0] =	sst s2  }
0xb: {  	[smem:$0x3FB1] =	sst s3  }
0xc: {  	[smem:$0x3FB2] =	sst s4  }
0xd: {  	[smem:$0x3FB3] =	sst s5  }
0xe: {  	[smem:$0x3FB4] =	sst s6  }
0xf: {  	[smem:$0x3FB5] =	sst s7  }
0x10: {  	[smem:$0x3FB6] =	sst s8  }
0x11: {  	[smem:$0x3FB7] =	sst s9;
	s0 =	simm.s32 @!p0 $0x0  }
0x12: {  	s1 =	sld [smem:$0x3F9D];
	s0 =	simm.s32 @p0 $0x1  }
0x13: {  	[smem:$0x3FB8] =	sst s0;
	s0 =	simm.s32 @!p1 $0x0  }
0x14: {  	s2 =	sld [smem:$0x3F9C];
	s0 =	simm.s32 @p1 $0x1  }
0x15: {  	[smem:$0x3FB9] =	sst s0;
	s0 =	simm.s32 @!p2 $0x0  }
0x16: {  	s3 =	sld [smem:$0x3FDB];
	s0 =	simm.s32 @p2 $0x1  }
0x17: {  	s4 =	simm.s32 $0x1BF5;
	[smem:$0x3FBB] =	sst s0  }
0x18: {  	s0 =	sld [smem:$0x3F9E];
	_ =	swait.ge [sflag:s4], $0x0  }
0x19: {  	s7 =	sld [smem:$0x3F9F]  }
0x1a: {  	s8 =	sadd.s32 $0xFFFFE003, lr  }
0x1b: {  	s9 =	sadd.s32 $0xFFFFFEF7, lr;
	s5 =	simm.s32 $0xFFFFFFFF;
	p2 =	slt.u32 s8, $0xFFFFF086  }
0x1c: {  	p1 =	slt.u32 s9, $0xF7A;
	s5 =	simm.s32 @!p2 $0x0  }
0x1d: {  	s5 =	simm.s32 @p1 $0x1;
	p0 =	seq.s32 s7, s2  }
0x1e: {  	s7 =	smul.u32 @!p0 $0xF7A, s2;
	p2 =	seq.s32 @!p0 s5, $0x0  }
0x1f: {  	s9 =	smul.u32 $0xF7A, s1;
	s8 =	simm.s32 @!p0 $0x1BF5;
	p2 =	por !p2, p0  }
0x20: {  	[sflag:s8] =	ssyncset.s32 @!p0 $0xFFFFF086;
	s6 =	sadd.s32 @!p0 s3, s7;
	s7 =	simm.s32 @!p0 $0x108  }
0x21: {  	s3 =	sadd.s32 s3, s9;
	s6 =	sadd.s32 @!p0 $0x88, s6;
	s7 =	simm.s32 @p2 $0x1082  }
0x22: {  	[simem:s7], [sflag:s8] =	dma.local @!p0 [hbm:s6], $0xF7A  }
0x23: {  	s9 =	sor.u32 $0xD0000000, s2;
	s6 =	simm.s32 $0x108;
	_ =	swait.ge @!p0 [sflag:s8], $0x0  }
0x24: {  	s3 =	sadd.s32 $0x88, s3;
	s6 =	simm.s32 @!p1 $0x1082;
	[sflag:s4] =	ssyncset.s32 $0xFFFFF086  }
0x25: {  	[simem:s6], [sflag:s4] =	dma.local [hbm:s3], $0xF7A  }
0x26: {  	[smem:$0x3F9F] =	sst s1;
	(tag) =	ssettag s2;
	_ =	strace s9  }
0x27: {  	s1 =	sld [smem:$0x3FAF]  }
0x28: {  	s2 =	sld [smem:$0x3FB0]  }
0x29: {  	s4 =	sld [smem:$0x3FB2]  }
0x2a: {  	p0 =	seq.s32 s5, $0x0;
	s5 =	sld [smem:$0x3FB3]  }
0x2b: {  	s6 =	sld [smem:$0x3FB4]  }
0x2c: {  	s7 =	sld [smem:$0x3FB5]  }
0x2d: {  	s3 =	simm.s32 $0x108;
	s8 =	sld [smem:$0x3FB6]  }
0x2e: {  	s3 =	simm.s32 @!p0 $0x1082;
	s9 =	sld [smem:$0x3FB7]  }
0x2f: {  	lr =	sadd.s32 s0, s3;
	s0 =	sld [smem:$0x3FAE]  }
0x30: {  	s3 =	sld [smem:$0x3FB1]  }
0x31: {  	[smem:$0x3FBA] =	sst s10  }
0x32: {  	s10 =	sld [smem:$0x3FB8];
	_ =	sdelay $0x3  }
0x33: {  	p0 =	seq.s32 s10, $0x1;
	s10 =	sld [smem:$0x3FBA];
	_ =	sdelay $0x3  }
0x34: {  	[smem:$0x3FBA] =	sst s10  }
0x35: {  	s10 =	sld [smem:$0x3FB9];
	_ =	sdelay $0x3  }
0x36: {  	p1 =	seq.s32 s10, $0x1;
	s10 =	sld [smem:$0x3FBA];
	_ =	sdelay $0x3  }
0x37: {  	[smem:$0x3FBA] =	sst s10  }
0x38: {  	s10 =	sld [smem:$0x3FBB]  }
0x39: {  	_ = 	snop;
	(pc) =	sbr.ind lr, $3  }
0x3a: {  	_ = 	snop  }
0x3b: {  	_ = 	snop  }
0x3c: {  	p2 =	seq.s32 s10, $0x1;
	s10 =	sld [smem:$0x3FBA]  }
0x3d: {  	_ =	shalt  }
0x3e: {  	_ =	shalt  }
0x3f: {  	_ =	shalt  }
0x40: {  	_ =	shalt  }
0x41: {  	_ =	shalt  }
0x42: {  	_ =	shalt  }
0x43: {  	_ =	shalt  }
0x44: {  	_ =	shalt  }
0x45: {  	_ =	shalt  }
0x46: {  	_ =	shalt  }
0x47: {  	_ =	shalt  }
0x48: {  	_ =	shalt  }
0x49: {  	_ =	shalt  }
0x4a: {  	_ =	shalt  }
0x4b: {  	_ =	shalt  }
0x4c: {  	_ =	shalt  }
0x4d: {  	_ =	shalt  }
0x4e: {  	_ =	shalt  }
0x4f: {  	_ =	shalt  }
0x50: {  	_ =	shalt  }
0x51: {  	_ =	shalt  }
0x52: {  	_ =	shalt  }
0x53: {  	_ =	shalt  }
0x54: {  	_ =	shalt  }
0x55: {  	_ =	shalt  }
0x56: {  	_ =	shalt  }
0x57: {  	_ =	shalt  }
0x58: {  	_ =	shalt  }
0x59: {  	_ =	shalt  }
0x5a: {  	_ =	shalt  }
0x5b: {  	_ =	shalt  }
0x5c: {  	_ =	shalt  }
0x5d: {  	_ =	shalt  }
0x5e: {  	_ =	shalt  }
0x5f: {  	_ =	shalt  }
0x60: {  	_ =	shalt  }
0x61: {  	_ =	shalt  }
0x62: {  	_ =	shalt  }
0x63: {  	_ =	shalt  }
0x64: {  	_ =	shalt  }
0x65: {  	_ =	shalt  }
0x66: {  	_ =	shalt  }
0x67: {  	_ =	shalt  }
0x68: {  	_ =	shalt  }
0x69: {  	_ =	shalt  }
0x6a: {  	_ =	shalt  }
0x6b: {  	_ =	shalt  }
0x6c: {  	_ =	shalt  }
0x6d: {  	_ =	shalt  }
0x6e: {  	_ =	shalt  }
0x6f: {  	_ =	shalt  }
0x70: {  	_ =	shalt  }
0x71: {  	_ =	shalt  }
0x72: {  	_ =	shalt  }
0x73: {  	_ =	shalt  }
0x74: {  	_ =	shalt  }
0x75: {  	_ =	shalt  }
0x76: {  	_ =	shalt  }
0x77: {  	_ =	shalt  }
0x78: {  	_ =	shalt  }
0x79: {  	_ =	shalt  }
0x7a: {  	_ =	shalt  }
0x7b: {  	_ =	shalt  }
0x7c: {  	_ =	shalt  }
0x7d: {  	_ =	shalt  }
0x7e: {  	_ =	shalt  }
0x7f: {  	_ =	shalt  }
0x80: {  	_ =	shalt  }
0x81: {  	_ =	shalt  }
0x82: {  	_ =	shalt  }
0x83: {  	_ =	shalt  }
0x84: {  	_ =	shalt  }
0x85: {  	_ =	shalt  }
0x86: {  	_ =	shalt  }
0x87: {  	_ =	shalt  }
.Lfunc_end0:
.L_simem_size_0:
called_computation_lowered:
.L_overlay_start_0:
0x88: {  	s2 =	sld [smem:$0x3FD9]  }
0x89: {  	s3 =	sld [smem:$0x3FFE];
	_ =	sdelay $0x1  }
0x8a: {  	s1 =	srdreg.scid  }
0x8b: {  	s0 =	sand.u32 $0x1, s1  }
0x8c: {  	s17 =	sshll.u32 s0, $0xA;
	s2 =	sadd.s32 s3, s2  }
0x8d: {  	s2 =	sadd.s32 s2, s17  }
0x8e: {  	[smem:$0x3FC6] =	sst s2  }
0x8f: {  	_ = 	snop  }
0x90: {  	s2 =	sld [smem:$0x3FC9]  }
0x91: {  	s18 =	sld [smem:$0x3FC8];
	(tm) =	ssettm $0x1  }
0x92: {  	s4 =	sld [smem:$0x3FFB];
	_ =	sdelay $0x3  }
0x93: {  	_ =	strace s4  }
0x94: {  	s4 =	sld [smem:$0x3FFC];
	_ =	sdelay $0x3  }
0x95: {  	_ =	strace s4  }
0x96: {  	s4 =	sld [smem:$0x3FFD];
	_ =	sdelay $0x3  }
0x97: {  	_ =	strace s4  }
0x98: {  	_ =	strace $0x8FFFFFFF  }
0x99: {  	s19 =	sld [smem:$0x3FDB];
	_ =	sdelay $0x1  }
0x9a: {  	s5 =	simm.s32 $_scs_section_size  }
0x9b: {  	s6 =	simm.s32 $_size__tile_overlayer_lowered;
	s7 =	simm.s32 $_tile_overlayer_lowered  }
0x9c: {  	s22 =	simm.s32 $0x1BFF;
	s21 =	sshll.u32 s7, $0x1;
	s4 =	sadd.s32 s5, s19  }
0x9d: {  	s8 =	simm.s32 $0x0;
	s20 =	sshll.u32 s6, $0x1;
	s6 =	sadd.s32 s21, s4  }
0x9e: {  	[timem:s8], [sflag:s22] =	dma.local [hbm:s6], s20  }
0x9f: {  	_ =	swait.ge [sflag:s22], s20  }
0xa0: {  	s5 =	ssub.s32 $0x0, s20;
	[sflag:s22] =	ssyncset.done $0x0  }
0xa1: {  	[sflag:s22] =	ssyncadd.s32 s5;
	_ =	sdelay $0x1  }
0xa2: {  	s23 =	simm.s32 $0x1B8B  }
0xa3: {  	_ =	swait.ge [sflag:s23], $0x1  }
0xa4: {  	[sflag:s23] =	ssyncset.done $0x0  }
0xa5: {  	s25 =	simm.s32 $0x1B8E;
	s24 =	sld [smem:$0x3FFE];
	[sflag:s23] =	ssyncadd.s32 $0xFFFFFFFF  }
0xa6: {  	s26 =	simm.s32 $execute0_lowered;
	[smem:$0x3FD2] =	sst s25  }
0xa7: {  	s6 =	sshll.u32 s26, $0x1;
	_ =	strace $0x80000046;
	[dreg:$0x1] =	wrdreg $0xFFFFFFFF  }
0xa8: {  	s28 =	simm.s32 $_size_execute0_lowered;
	s4 =	sadd.s32 s4, s6;
	[dreg:$0x0] =	wrdreg $0x0  }
0xa9: {  	s6 =	sshll.u32 s28, $0x1;
	[dreg:$0x2] =	wrdreg s4  }
0xaa: {  	[dreg:$0x3] =	wrdreg s6  }
0xab: {  	[dreg:$0x4] =	wrdreg $0xC0  }
0xac: {  	_ =	task [dreg:s8], $0x5FFFF  }
0xad: {  	[dreg:$0x1] =	wrdreg $0xFFFFFFFF  }
0xae: {  	[dreg:$0x0] =	wrdreg $0x60  }
0xaf: {  	[dreg:$0x2] =	wrdreg s2  }
0xb0: {  	[dreg:$0x3] =	wrdreg s18  }
0xb1: {  	[dreg:$0x4] =	wrdreg s24  }
0xb2: {  	[dreg:$0x5] =	wrdreg $0xC3800  }
0xb3: {  	[dreg:$0x6] =	wrdreg $0x9  }
0xb4: {  	_ =	task.clear_ibuf [dreg:s8], $0x7FFFF;
	_ =	strace $0x90000046  }
0xb5: {  	s29 =	simm.s32 $0x9;
	_ =	strace $0x80000048  }
0xb6: {  	_ =	swait.ge [sflag:s29], $0x1  }
0xb7: {  	[sflag:s29] =	ssyncadd.s32 $0xFFFFFFFF  }
0xb8: {  	_ =	strace $0x90000048  }
0xb9: {  	_ =	sfence  }
0xba: {  	s30 =	sld [smem:$0x0];
	_ =	sdelay $0x2  }
0xbb: {  	s31 =	sshll.u32 s1, $0xD;
	s1 =	sshrl.u32 s1, $0x2  }
0xbc: {  	s3 =	sand.u32 $0x4000, s31;
	s1 =	sadd.s32 s1, s30  }
0xbd: {  	s0 =	sor.u32 s3, s0;
	s1 =	sshll.u32 s1, $0x11  }
0xbe: {  	s0 =	sor.u32 s1, s0  }
0xbf: {  	s0 =	sadd.s32 $0x8F2B, s0  }
0xc0: {  	[sflag:s0] =	ssyncadd.remote.s32 $0x1  }
0xc1: {  	_ =	sfence.sel $0xFFFF  }
0xc2: {  	[dreg:$0x0] =	wrdreg $0xFFFFFFFF;
	(pc) =	sbr.abs _section_cstart, $3  }
0xc3: {  	[dreg:$0x1] =	wrdreg $0xFFFFFFFF  }
0xc4: {  	_ =	task.clear_ibuf [dreg:s8], $0x2FFFF;
	_ =	strace $0x9FFFFFFF  }
0xc5: {  	(tm) =	ssettm $0x7FFFFFFF  }
tec
execute0_lowered:
.L_overlay_start_1:
0x0: {  	(tag) =	ssettag $0x1  }
0x1: {  	s0 =	rddreg [dreg:$0x0]  }
0x2: {  	s1 =	rddreg [dreg:$0x1]  }
0x3: {  	s5 =	rddreg [dreg:$0x2];
	s2 =	srdreg.scid  }
0x4: {  	s6 =	stileid.u32;
	s3 =	rddreg [dreg:$0x3]  }
0x5: {  	s4 =	simm.s32 $0x0;
	s7 =	sand.u32 $0x1, s2;
	s2 =	rddreg [dreg:$0x4]  }
0x6: {  	s10 =	simm.s32 $0x0;
	s8 =	sshll.u32 s6, $0x1;
	[smem:$0x7FF] =	sst s4  }
.Ltmp0:
0x7: {  	p0 =	sne.s32 s6, $0x0;
	s8 =	sor.u32 s7, s8;
	(pc) =	sbr.rel .LBB2_1-.Ltmp0, $4  }
0x8: {  	s7 =	ssub.s32 $0x2, s7;
	_ =	strace $0x80000047;
	s9 =	sshll.u32 s8, $0x6  }
0x9: {  	v0 =	vlaneseq.u32;
	s31 =	sshrl.u32 s7, $0x1;
	s8 =	sshll.u32 s8, $0x1;
	s5 =	sadd.s32 s9, s5  }
0xa: {  	s7 =	ssub.s32 s7, s31;
	v0 =	vadd.s32 s8, v0;
	s8 =	simm.s32 $0x3;
	s9 =	simm.s32 $0x1EFB8  }
0xb: {  	vm0 =	vmmov $0x1;
	vm1 =	vcmask $0x308;
	vm2 =	vcmask $0x70C;
	s5 =	sadd.s32 $0x400, s5;
	s6 =	smax.u32 s7, $0x1;
	s7 =	sshrl.u32 @!p0 s3, $0x3  }
.LBB2_4:
0xc: {  	v16 =	vimm.f32 $-Inf;
	v15 =	vimm.f32 $-Inf  }
0xd: {  	v14 =	vimm.f32 $-Inf;
	v13 =	vimm.f32 $-Inf;
	v11 =	vimm.f32 $-Inf  }
0xe: {  	v9 =	vimm.f32 $-Inf;
	v7 =	vimm.f32 $-Inf;
	v5 =	vimm.f32 $-Inf  }
0xf: {  	v3 =	vimm.f32 $-Inf;
	v12 =	vimm.f32 $-Inf;
	v10 =	vimm.f32 $-Inf  }
0x10: {  	v8 =	vimm.f32 $-Inf;
	v6 =	vimm.f32 $-Inf;
	v4 =	vimm.f32 $-Inf  }
0x11: {  	v2 =	vimm.f32 $-Inf;
	v1 =	vimm.f32 $-Inf;
	v32 =	vimm.f32 $-Inf  }
0x12: {  	v31 =	vimm.f32 $-Inf;
	v30 =	vimm.f32 $-Inf;
	v29 =	vimm.f32 $-Inf  }
0x13: {  	v28 =	vimm.f32 $-Inf;
	v27 =	vimm.f32 $-Inf;
	v26 =	vimm.f32 $-Inf  }
0x14: {  	v25 =	vimm.f32 $-Inf;
	v24 =	vimm.f32 $-Inf;
	v23 =	vimm.f32 $-Inf  }
0x15: {  	v22 =	vimm.f32 $-Inf;
	v21 =	vimm.f32 $-Inf;
	v20 =	vimm.f32 $-Inf  }
0x16: {  	v19 =	vimm.f32 $-Inf;
	v18 =	vimm.f32 $-Inf;
	v17 =	vimm.f32 $-Inf  }
.LBB2_31:
0x17: {  	[tilespmem:$0x1EFB8] =	vst v16  }
0x18: {  	[tilespmem:$0x1F0B8] =	vst v32  }
0x19: {  	[tilespmem:$0x1EFC8] =	vst v15  }
0x1a: {  	[tilespmem:$0x1F0C8] =	vst v31  }
0x1b: {  	[tilespmem:$0x1EFD8] =	vst v14  }
0x1c: {  	[tilespmem:$0x1F0D8] =	vst v30  }
0x1d: {  	[tilespmem:$0x1EFE8] =	vst v13  }
0x1e: {  	[tilespmem:$0x1F0E8] =	vst v29  }
0x1f: {  	[tilespmem:$0x1EFF8] =	vst v11  }
0x20: {  	[tilespmem:$0x1F0F8] =	vst v28  }
0x21: {  	[tilespmem:$0x1F008] =	vst v9  }
0x22: {  	[tilespmem:$0x1F108] =	vst v27  }
0x23: {  	[tilespmem:$0x1F018] =	vst v7  }
0x24: {  	[tilespmem:$0x1F118] =	vst v26  }
0x25: {  	[tilespmem:$0x1F028] =	vst v5  }
0x26: {  	[tilespmem:$0x1F128] =	vst v25  }
0x27: {  	[tilespmem:$0x1F038] =	vst v3  }
0x28: {  	[tilespmem:$0x1F138] =	vst v24  }
0x29: {  	[tilespmem:$0x1F048] =	vst v12  }
0x2a: {  	[tilespmem:$0x1F148] =	vst v23  }
0x2b: {  	[tilespmem:$0x1F058] =	vst v10  }
0x2c: {  	[tilespmem:$0x1F158] =	vst v22  }
0x2d: {  	[tilespmem:$0x1F068] =	vst v8  }
0x2e: {  	[tilespmem:$0x1F168] =	vst v21  }
0x2f: {  	[tilespmem:$0x1F078] =	vst v6  }
0x30: {  	[tilespmem:$0x1F178] =	vst v20  }
0x31: {  	[tilespmem:$0x1F088] =	vst v4  }
0x32: {  	[tilespmem:$0x1F188] =	vst v19  }
0x33: {  	[tilespmem:$0x1F098] =	vst v2  }
0x34: {  	[tilespmem:$0x1F198] =	vst v18;
	s10 =	sadd.s32 $0x1, s10  }
0x35: {  	[tilespmem:$0x1F0A8] =	vst v1;
	p1 =	sne.s32 s10, s6  }
.Ltmp1:
0x36: {  	[tilespmem:$0x1F1A8] =	vst v17;
	(pc) =	sbr.rel @!p1 .LBB2_32-.Ltmp1, $4  }
0x37: {  	[hbm4b:s5+s4] =	stream.linear.scatter [tilespmem:s9], [sflag:$0x3], $0x200, $0x38;
	[tilespmem:$0x1F1B8] =	vst v63  }
0x38: {  	_ =	swait.ge [sflag:s8], $0x200  }
0x39: {  	[sflag:s8] =	ssyncset.done $0x0  }
0x3a: {  	[sflag:s8] =	ssyncadd.s32 $0xFFFFFE00  }
.LBB2_1:
0x3b: {  	s11 =	simm.s32 @!p0 $0x1C03  }
0x3c: {  	[spmem:s7], [sflag:s11] =	dma.local @!p0 [hbm:s1], $0x1870  }
0x3d: {  	s11 =	simm.s32 @!p0 $0x3  }
0x3e: {  	_ =	swait.ge @!p0 [sflag:s11], $0x1870  }
0x3f: {  	[sflag:s11] =	ssyncset.done @!p0 $0x0  }
0x40: {  	[sflag:s11] =	ssyncadd.s32 @!p0 $0xFFFFE790  }
0x41: {  	[bflag:$0x0] =	sbarrier.arrive $0xFFFF  }
0x42: {  	[tilespmem:s4], [sflag:$0x3] =	stream.linear.gather [spmem:s3], $0xC380, $0x38;
	[tilespmem:$0x1F1B8] =	vst v63  }
0x43: {  	_ =	swait.ge [sflag:s8], $0xC380  }
0x44: {  	v1 =	vimm.s32 $0x0;
	v2 =	vimm.s32 $0xC350;
	[sflag:s8] =	ssyncset.done $0x0  }
0x45: {  	v3 =	vadd.s32 v1, v2;
	s11 =	simm.s32 $0xF;
	[sflag:s8] =	ssyncadd.s32 $0xFFFF3C80  }
.LBB2_2:
0x46: {  	p1 =	sne.s32 s11, $0x1;
	v3 =	vshrl.u32 v3, $0x1  }
0x47: {  	v4 =	vmin.u32 v3, $0xC34F;
	v5 =	vadd.s32 $0x1, v3;
	_ =	sdelay $0x4  }
0x48: {  	v4 =	vld.idx.msk [tilespmem:v4+s4+$0x0], $0xffff;
	_ =	sdelay $0x4  }
.Ltmp2:
0x49: {  	(pc) =	sbr.rel @p1 .LBB2_2-.Ltmp2, $4  }
0x4a: {  	vm3 =	vlt.s32 v1, v2;
	vm4 =	vge.s32 v4, v0;
	vm5 =	vlt.s32 v4, v0  }
0x4b: {  	vm5 =	vmand vm3, vm5;
	vm3 =	vmand vm3, vm4  }
0x4c: {  	v1 =	vsel vm5, v5, v1;
	v2 =	vsel vm3, v3, v2  }
0x4d: {  	s11 =	sadd.s32 $0xFFFFFFFF, s11;
	v3 =	vadd.s32 v1, v2  }
0x4e: {  	v3 =	vshrl.u32 v3, $0x1  }
0x4f: {  	v4 =	vmin.u32 v3, $0xC34F;
	_ =	sdelay $0x4  }
0x50: {  	v4 =	vld.idx.msk [tilespmem:v4+s4+$0x0], $0xffff;
	_ =	sdelay $0x4  }
0x51: {  	vm3 =	vlt.s32 v1, v2;
	vm4 =	vlt.s32 v4, v0  }
0x52: {  	v2 =	vadd.s32 $0x1, v3;
	vm3 =	vmand vm3, vm4  }
0x53: {  	v1 =	vsel vm3, v2, v1  }
0x54: {  	v2 =	vnsel vm0, $0x0, v1  }
0x55: {  	v3 =	vsel vm1, $0x0, v1;
	v2 =	vxor.u32 $0x80000000, v2  }
0x56: {  	v1 =	vsel vm2, $0x0, v1;
	(xrf0) =	vmax.scan.msk.u32 $0xffff, v2;
	v2 =	vxor.u32 $0x80000000, v3  }
0x57: {  	v1 =	vxor.u32 $0x80000000, v1;
	(xrf0) =	vmax.scan.msk.u32 $0xffff, v2  }
0x58: {  	(xrf0) =	vmax.scan.msk.u32 $0xffff, v1;
	_ =	sdelay $0x3  }
0x59: {  	v1, _, _ =	vpop (xrf0)  }
0x5a: {  	v2, _, _ =	vpop (xrf0);
	(v2sf) =	vpush v1, $0xF  }
0x5b: {  	(v2sf) =	vpush v2, $0xF;
	v1, _, _ =	vpop (xrf0)  }
0x5c: {  	(v2sf) =	vpush v1, $0xF;
	_ =	sdelay $0xc  }
0x5d: {  	s11 =	spop (v2sf)  }
0x5e: {  	s15 =	spop (v2sf)  }
0x5f: {  	s16 =	spop (v2sf)  }
0x60: {  	s11 =	sxor.u32 $0x80000000, s11;
	s13 =	sadd.s32 $0x80000007, s16  }
0x61: {  	s12 =	sand.u32 $0xFFFFFFF8, s11;
	s17 =	sand.u32 $0xFFFFFFF8, s13  }
0x62: {  	s13 =	ssub.s32 s17, s12  }
0x63: {  	s13 =	sadd.s32 $0x8F, s13  }
0x64: {  	s14 =	smulhi.u32 $0x38E38E39, s13;
	s13 =	sshra.s32 s13, $0x1F  }
0x65: {  	s18 =	smul.u32 $0x38E38E39, s13;
	_ =	sdelay $0x1  }
0x66: {  	s14 =	sadd.s32 s18, s14  }
0x67: {  	s18 =	sshrl.u32 s14, $0x1F;
	s14 =	sshra.s32 s14, $0x5  }
0x68: {  	s14 =	sadd.s32 s18, s14  }
0x69: {  	s13 =	sadd.s32 s13, s14  }
0x6a: {  	p1 =	slt.s32 s13, $0x1  }
0x6b: {  	s14 =	sadd.s32 @!p1 $0xFFFFFF70, s17  }
0x6c: {  	p2 =	slt.s32 @!p1 s12, s14  }
0x6d: {  	s18 =	smov.u32 s12;
	p2 =	por !p2, p1  }
0x6e: {  	s18 =	smov.u32 @p2 s14  }
0x6f: {  	p2 =	sgt.s32 @!p1 s18, $0x0  }
0x70: {  	p2 =	por !p2, p1  }
0x71: {  	s18 =	simm.s32 @p2 $0x0  }
0x72: {  	s19 =	simm.s32 @!p1 $0x0;
	p2 =	seq.s32 @!p1 s13, $0x1;
	s18 =	sshll.u32 @!p1 s18, $0x5  }
0x73: {  	s20 =	simm.s32 @!p1 $0xCFB8;
	p3 =	por p2, p1;
	s18 =	sadd.s32 @!p1 s0, s18  }
0x74: {  	[tilespmem:s20], [sflag:$0x1] =	stream.linear.gather @!p1 [hbm4b:s18+s19], $0x9000, $0x38;
	[tilespmem:$0x1F1B8] =	vst v63  }
0x75: {  	s18 =	sadd.s32 @!p3 $0x90, s12  }
0x76: {  	p4 =	slt.s32 @!p3 s18, s14  }
0x77: {  	p4 =	por @!p1 !p4, p2  }
0x78: {  	p4 =	por !p4, p1  }
0x79: {  	s14 =	smov.u32 @p4 s18  }
0x7a: {  	p4 =	sgt.s32 @!p3 s14, $0x0  }
0x7b: {  	p2 =	por @!p1 !p4, p2  }
0x7c: {  	s29 =	sadd.s32 $0x1, s13;
	p5 =	slt.s32 s13, $0x0;
	p1 =	por !p2, p1  }
0x7d: {  	s30 =	sand.u32 $0x1, s29;
	s31 =	sshrl.u32 s29, $0x1F;
	s14 =	simm.s32 @!p1 $0x0  }
0x7e: {  	p6 =	seq.s32 s30, $0x1;
	s19 =	simm.s32 @!p3 $0x15FB8;
	s14 =	sshll.u32 @!p3 s14, $0x5  }
0x7f: {  	s18 =	simm.s32 @!p3 $0x0;
	p1 =	por !p5, !p6;
	s14 =	sadd.s32 @!p3 s0, s14  }
0x80: {  	[tilespmem:s19], [sflag:$0x2] =	stream.linear.gather @!p3 [hbm4b:s14+s18], $0x9000, $0x38;
	[tilespmem:$0x1F1B8] =	vst v63  }
0x81: {  	p1 =	por !p1, !p1;
	s14 =	sadd.s32 s31, s29;
	s18 =	simm.s32 $0x1  }
0x82: {  	s14 =	sshra.s32 s14, $0x1;
	s18 =	simm.s32 @!p1 $0x0  }
0x83: {  	s14 =	ssub.s32 s14, s18  }
0x84: {  	p1 =	slt.s32 s14, $0x1  }
.Ltmp3:
0x85: {  	_ = 	snop;
	(pc) =	sbr.rel @p1 .LBB2_4-.Ltmp3, $1  }
0x86: {  	_ =	sdelay $0x3  }
0x87: {  	v17 =	vimm.f32 $-Inf;
	v18 =	vimm.f32 $-Inf  }
0x88: {  	v19 =	vimm.f32 $-Inf;
	v20 =	vimm.f32 $-Inf;
	v21 =	vimm.f32 $-Inf  }
0x89: {  	v22 =	vimm.f32 $-Inf;
	v23 =	vimm.f32 $-Inf;
	v24 =	vimm.f32 $-Inf  }
0x8a: {  	v25 =	vimm.f32 $-Inf;
	v26 =	vimm.f32 $-Inf;
	v27 =	vimm.f32 $-Inf  }
0x8b: {  	v28 =	vimm.f32 $-Inf;
	v29 =	vimm.f32 $-Inf;
	v30 =	vimm.f32 $-Inf  }
0x8c: {  	v31 =	vimm.f32 $-Inf;
	v32 =	vimm.f32 $-Inf;
	v1 =	vimm.f32 $-Inf  }
.Ltmp4:
0x8d: {  	v2 =	vimm.f32 $-Inf;
	v4 =	vimm.f32 $-Inf;
	v6 =	vimm.f32 $-Inf;
	(pc) =	sbr.rel .LBB2_6-.Ltmp4, $4  }
0x8e: {  	v8 =	vimm.f32 $-Inf;
	v10 =	vimm.f32 $-Inf;
	v12 =	vimm.f32 $-Inf  }
0x8f: {  	v3 =	vimm.f32 $-Inf;
	v5 =	vimm.f32 $-Inf;
	v7 =	vimm.f32 $-Inf  }
0x90: {  	s15 =	sxor.u32 $0x80000000, s15;
	v9 =	vimm.f32 $-Inf;
	v11 =	vimm.f32 $-Inf;
	v13 =	vimm.f32 $-Inf  }
0x91: {  	s16 =	sxor.u32 $0x80000000, s16;
	s17 =	sadd.s32 $0xFFFFFF70, s17;
	s18 =	simm.s32 $0x0;
	v14 =	vimm.f32 $-Inf;
	v15 =	vimm.f32 $-Inf;
	v16 =	vimm.f32 $-Inf  }
.LBB2_22:
0x92: {  	v32 =	vpsel p1, v32, v32  }
0x93: {  	v31 =	vpsel p1, v31, v31;
	v30 =	vpsel p1, v30, v30;
	v29 =	vpsel p1, v29, v29  }
0x94: {  	v28 =	vpsel p1, v28, v28;
	v27 =	vpsel p1, v27, v27;
	v26 =	vpsel p1, v26, v26  }
0x95: {  	v25 =	vpsel p1, v25, v25;
	v24 =	vpsel p1, v24, v24;
	v23 =	vpsel p1, v23, v23  }
0x96: {  	v22 =	vpsel p1, v22, v22;
	v21 =	vpsel p1, v21, v21;
	v20 =	vpsel p1, v20, v20  }
0x97: {  	v19 =	vpsel p1, v19, v19;
	v18 =	vpsel p1, v18, v18;
	v17 =	vpsel p1, v17, v17  }
.LBB2_30:
0x98: {  	s19 =	sadd.s32 $0x3, s19  }
0x99: {  	p1 =	sge.s32 s19, s13  }
0x9a: {  	s19 =	smul.u32 @!p1 $0x90, s19;
	_ =	sdelay $0x1  }
0x9b: {  	s19 =	sadd.s32 @!p1 s12, s19  }
0x9c: {  	p2 =	slt.s32 @!p1 s19, s17  }
0x9d: {  	p2 =	por !p2, p1  }
0x9e: {  	s19 =	smov.u32 @p2 s17  }
0x9f: {  	p2 =	sgt.s32 @!p1 s19, $0x0  }
0xa0: {  	p2 =	por !p2, p1  }
0xa1: {  	s19 =	simm.s32 @p2 $0x0  }
0xa2: {  	s18 =	sadd.s32 $0x1, s18;
	s19 =	sshll.u32 @!p1 s19, $0x5  }
0xa3: {  	s20 =	simm.s32 @!p1 $0x0;
	s21 =	simm.s32 @!p1 $0x15FB8;
	s19 =	sadd.s32 @!p1 s0, s19  }
0xa4: {  	[tilespmem:s21], [sflag:$0x2] =	stream.linear.gather @!p1 [hbm4b:s19+s20], $0x9000, $0x38;
	[tilespmem:$0x1F1B8] =	vst v63  }
0xa5: {  	p1 =	sne.s32 s18, s14  }
.Ltmp5:
0xa6: {  	_ = 	snop;
	(pc) =	sbr.rel @!p1 .LBB2_31-.Ltmp5, $1  }
0xa7: {  	_ =	sdelay $0x3  }
.LBB2_6:
0xa8: {  	s19 =	smul.u32 $0x120, s18;
	_ =	sdelay $0x1  }
0xa9: {  	s19 =	sadd.s32 s12, s19  }
0xaa: {  	s21 =	smov.u32 s17;
	p1 =	slt.s32 s19, s17  }
0xab: {  	s21 =	smov.u32 @p1 s19  }
0xac: {  	p1 =	sgt.s32 s21, $0x0  }
0xad: {  	s21 =	simm.s32 @!p1 $0x0  }
0xae: {  	s20 =	ssub.s32 s11, s21;
	s23 =	ssub.s32 s15, s21  }
0xaf: {  	p2 =	sgt.s32 s20, $0x0;
	p3 =	sgt.s32 s23, $0x0  }
0xb0: {  	s19 =	sshll.u32 s18, $0x1;
	s20 =	simm.s32 @!p2 $0x0;
	s23 =	simm.s32 @!p3 $0x0  }
0xb1: {  	p2 =	slt.s32 s19, s13;
	s22 =	smin.u32 s20, $0x90;
	s20 =	smin.u32 s23, $0x90  }
0xb2: {  	s22 =	simm.s32 @!p2 $0x0;
	s20 =	simm.s32 @!p2 $0x0  }
0xb3: {  	p2 =	sle.u32 s20, s22  }
.Ltmp6:
0xb4: {  	p1 =	sge.s32 s19, s13;
	(pc) =	sbr.rel @p2 .LBB2_9-.Ltmp6, $4  }
0xb5: {  	s24 =	simm.s32 @!p1 $0x1  }
0xb6: {  	_ =	swait.ge @!p1 [sflag:s24], $0x9000  }
0xb7: {  	[sflag:s24] =	ssyncset.done @!p1 $0x0  }
0xb8: {  	[sflag:s24] =	ssyncadd.s32 @!p1 $0xFFFF7000  }
0xb9: {  	s25 =	ssub.s32 s20, s22  }
0xba: {  	p3 =	seq.s32 s25, $0x1  }
.Ltmp7:
0xbb: {  	_ = 	snop;
	(pc) =	sbr.rel @p3 .LBB2_8-.Ltmp7, $3  }
0xbc: {  	_ =	sdelay $0x1  }
0xbd: {  	s24 =	sshll.u32 s22, $0x7;
	s23 =	sshll.u32 s22, $0x8;
	p2 =	por $0x0, $0x0  }
0xbe: {  	s26 =	sand.u32 $0x7FFFF800, s23;
	s28 =	sand.u32 $0x380, s24;
	s25 =	sadd.s32 $0xFFFFFFFF, s25  }
0xbf: {  	s22 =	sor.u32 s28, s26  }
0xc0: {  	v33 =	vld [tilespmem:s22+$0xD428]  }
0xc1: {  	v34 =	vld [tilespmem:s22+$0xCFB8]  }
0xc2: {  	v35 =	vld [tilespmem:s22+$0xCFC8]  }
0xc3: {  	v36 =	vld [tilespmem:s22+$0xCFD8]  }
0xc4: {  	v37 =	vld [tilespmem:s22+$0xCFE8]  }
0xc5: {  	v40 =	vld [tilespmem:s22+$0xCFF8]  }
0xc6: {  	v42 =	vld [tilespmem:s22+$0xD008]  }
0xc7: {  	v43 =	vld [tilespmem:s22+$0xD018]  }
0xc8: {  	v44 =	vld [tilespmem:s22+$0xD028]  }
0xc9: {  	v45 =	vld [tilespmem:s22+$0xD3B8]  }
0xca: {  	p3 =	seq.s32 s25, $0x1  }
.Ltmp8:
0xcb: {  	v38 =	vld [tilespmem:s22+$0xD3C8];
	v1 =	vmax.f32 v1, v33;
	(pc) =	sbr.rel @p3 .LBB2_12-.Ltmp8, $4  }
0xcc: {  	v39 =	vld [tilespmem:s22+$0xD3D8];
	v16 =	vmax.f32 v16, v34;
	v15 =	vmax.f32 v15, v35;
	v14 =	vmax.f32 v14, v36  }
0xcd: {  	v41 =	vld [tilespmem:s22+$0xD3E8];
	v13 =	vmax.f32 v13, v37;
	v11 =	vmax.f32 v11, v40;
	v9 =	vmax.f32 v9, v42  }
0xce: {  	s23 =	sadd.s32 $0x100, s23;
	s24 =	sadd.s32 $0x80, s24;
	s25 =	sadd.s32 $0xFFFFFFFF, s25;
	v42 =	vld [tilespmem:s22+$0xD3F8];
	v7 =	vmax.f32 v7, v43;
	v5 =	vmax.f32 v5, v44;
	v3 =	vmax.f32 v3, v45;
	v33 =	vmovc v12  }
0xcf: {  	p2 =	por $0x1, $0x1;
	s26 =	sand.u32 $0x7FFFF800, s23;
	s28 =	sand.u32 $0x380, s24;
	v43 =	vld [tilespmem:s22+$0xD408];
	v34 =	vmovc v10;
	v35 =	vmovc v8;
	v36 =	vmov v6;
	v37 =	vmov v4;
	v40 =	vmov v2  }
.LBB2_13:
0xd0: {  	p3 =	seq.s32 s25, $0x1;
	v33 =	vmax.f32 v33, v38;
	v38 =	vld [tilespmem:s22+$0xD418];
	s22 =	sor.u32 s28, s26  }
0xd1: {  	v44 =	vld [tilespmem:s22+$0xD428];
	v34 =	vmax.f32 v34, v39  }
0xd2: {  	v39 =	vld [tilespmem:s22+$0xCFB8];
	v35 =	vmax.f32 v35, v41  }
0xd3: {  	v41 =	vld [tilespmem:s22+$0xCFC8];
	v36 =	vmax.f32 v36, v42  }
0xd4: {  	v42 =	vld [tilespmem:s22+$0xCFD8];
	v37 =	vmax.f32 v37, v43  }
0xd5: {  	v43 =	vld [tilespmem:s22+$0xCFE8];
	v40 =	vmax.f32 v40, v38  }
0xd6: {  	v38 =	vld [tilespmem:s22+$0xCFF8];
	v1 =	vmax.f32 v1, v44  }
0xd7: {  	v16 =	vmax.f32 v16, v39;
	v39 =	vld [tilespmem:s22+$0xD008]  }
0xd8: {  	v15 =	vmax.f32 v15, v41;
	v41 =	vld [tilespmem:s22+$0xD018]  }
0xd9: {  	v14 =	vmax.f32 v14, v42;
	v42 =	vld [tilespmem:s22+$0xD028]  }
0xda: {  	v13 =	vmax.f32 v13, v43;
	v43 =	vld [tilespmem:s22+$0xD3B8]  }
.Ltmp9:
0xdb: {  	v11 =	vmax.f32 v11, v38;
	v38 =	vld [tilespmem:s22+$0xD3C8];
	(pc) =	sbr.rel @!p3 .LBB2_13-.Ltmp9, $4  }
0xdc: {  	v9 =	vmax.f32 v9, v39;
	v39 =	vld [tilespmem:s22+$0xD3D8]  }
0xdd: {  	v7 =	vmax.f32 v7, v41;
	v41 =	vld [tilespmem:s22+$0xD3E8]  }
0xde: {  	s24 =	sadd.s32 $0x80, s24;
	s23 =	sadd.s32 $0x100, s23;
	v5 =	vmax.f32 v5, v42;
	v42 =	vld [tilespmem:s22+$0xD3F8]  }
0xdf: {  	s25 =	sadd.s32 $0xFFFFFFFF, s25;
	s26 =	sand.u32 $0x7FFFF800, s23;
	s28 =	sand.u32 $0x380, s24;
	v3 =	vmax.f32 v3, v43;
	v43 =	vld [tilespmem:s22+$0xD408]  }
.LBB2_14:
0xe0: {  	s23 =	sor.u32 s28, s26;
	v44 =	vld @p2 [tilespmem:s22+$0xD418]  }
0xe1: {  	v45 =	vld [tilespmem:s23+$0xD428]  }
0xe2: {  	v46 =	vld [tilespmem:s23+$0xCFB8]  }
0xe3: {  	v47 =	vld [tilespmem:s23+$0xCFC8]  }
0xe4: {  	v48 =	vld [tilespmem:s23+$0xCFD8]  }
0xe5: {  	v49 =	vld [tilespmem:s23+$0xCFE8]  }
0xe6: {  	v50 =	vld [tilespmem:s23+$0xCFF8]  }
0xe7: {  	v51 =	vld [tilespmem:s23+$0xD008]  }
0xe8: {  	v52 =	vld [tilespmem:s23+$0xD018]  }
0xe9: {  	v53 =	vld [tilespmem:s23+$0xD028]  }
0xea: {  	v54 =	vld [tilespmem:s23+$0xD3B8]  }
0xeb: {  	v55 =	vld [tilespmem:s23+$0xD3C8]  }
0xec: {  	v33 =	vmax.f32 @p2 v33, v38;
	v59 =	vld [tilespmem:s23+$0xD3D8]  }
0xed: {  	v34 =	vmax.f32 @p2 v34, v39;
	v60 =	vld [tilespmem:s23+$0xD3E8];
	v12 =	vpsel p2, v33, v12;
	v35 =	vmax.f32 @p2 v35, v41  }
0xee: {  	v61 =	vld [tilespmem:s23+$0xD3F8];
	v10 =	vpsel p2, v34, v10;
	v36 =	vmax.f32 @p2 v36, v42;
	v8 =	vpsel p2, v35, v8  }
0xef: {  	v62 =	vld [tilespmem:s23+$0xD408];
	v37 =	vmax.f32 @p2 v37, v43;
	v6 =	vpsel p2, v36, v6;
	v40 =	vmax.f32 @p2 v40, v44  }
0xf0: {  	v63 =	vld [tilespmem:s23+$0xD418];
	v4 =	vpsel p2, v37, v4;
	v1 =	vmax.f32 v1, v45;
	v16 =	vmax.f32 v16, v46  }
0xf1: {  	v15 =	vmax.f32 v15, v47;
	v14 =	vmax.f32 v14, v48;
	v13 =	vmax.f32 v13, v49  }
0xf2: {  	v11 =	vmax.f32 v11, v50;
	v9 =	vmax.f32 v9, v51;
	v7 =	vmax.f32 v7, v52  }
0xf3: {  	v5 =	vmax.f32 v5, v53;
	v3 =	vmax.f32 v3, v54;
	v2 =	vpsel p2, v40, v2  }
0xf4: {  	v12 =	vmax.f32 v12, v55;
	v10 =	vmax.f32 v10, v59;
	v8 =	vmax.f32 v8, v60  }
0xf5: {  	v6 =	vmax.f32 v6, v61;
	v4 =	vmax.f32 v4, v62;
	v2 =	vmax.f32 v2, v63  }
.LBB2_9:
0xf6: {  	s21 =	ssub.s32 s16, s21  }
0xf7: {  	p2 =	sgt.s32 s21, $0x0  }
0xf8: {  	s21 =	simm.s32 @!p2 $0x0  }
0xf9: {  	s21 =	smin.u32 s21, $0x90  }
0xfa: {  	p2 =	sle.u32 @!p1 s21, s20  }
0xfb: {  	p2 =	por p1, p2  }
.Ltmp10:
0xfc: {  	_ = 	snop;
	(pc) =	sbr.rel @p2 .LBB2_10-.Ltmp10, $1  }
0xfd: {  	_ =	sdelay $0x3  }
0xfe: {  	s23 =	sshll.u32 s20, $0x7;
	s24 =	sshll.u32 s20, $0x8  }
0xff: {  	s22 =	sand.u32 $0x7FFFF800, s24;
	s25 =	sand.u32 $0x380, s23  }
0x100: {  	s22 =	sor.u32 s25, s22  }
0x101: {  	v35 =	vld [tilespmem:s22+$0xD428]  }
0x102: {  	v36 =	vld [tilespmem:s22+$0xCFB8]  }
0x103: {  	v37 =	vld [tilespmem:s22+$0xCFC8]  }
0x104: {  	v38 =	vld [tilespmem:s22+$0xCFD8]  }
0x105: {  	v39 =	vld [tilespmem:s22+$0xCFE8]  }
0x106: {  	v40 =	vld [tilespmem:s22+$0xCFF8]  }
0x107: {  	v41 =	vld [tilespmem:s22+$0xD008]  }
0x108: {  	s20 =	sadd.s32 $0x1, s20;
	v42 =	vld [tilespmem:s22+$0xD018]  }
0x109: {  	p1 =	sgt.u32 s21, s20;
	v43 =	vld [tilespmem:s22+$0xD028]  }
.Ltmp11:
0x10a: {  	v34 =	vld [tilespmem:s22+$0xD3B8];
	(pc) =	sbr.rel @!p1 .LBB2_17-.Ltmp11, $4  }
0x10b: {  	v33 =	vld [tilespmem:s22+$0xD3C8]  }
0x10c: {  	v17 =	vmax.f32 v17, v35;
	v32 =	vmax.f32 v32, v36;
	v31 =	vmax.f32 v31, v37;
	v35 =	vld [tilespmem:s22+$0xD3D8]  }
0x10d: {  	v30 =	vmax.f32 v30, v38;
	v29 =	vmax.f32 v29, v39;
	v28 =	vmax.f32 v28, v40;
	v36 =	vld [tilespmem:s22+$0xD3E8]  }
0x10e: {  	s23 =	sadd.s32 $0x80, s23;
	s24 =	sadd.s32 $0x100, s24;
	v27 =	vmax.f32 v27, v41;
	v26 =	vmax.f32 v26, v42;
	v25 =	vmax.f32 v25, v43;
	v37 =	vld [tilespmem:s22+$0xD3F8]  }
.LBB2_16:
0x10f: {  	s25 =	sand.u32 $0x7FFFF800, s24;
	s26 =	sand.u32 $0x380, s23;
	s20 =	sadd.s32 $0x1, s20;
	v24 =	vmax.f32 v24, v34;
	v34 =	vld [tilespmem:s22+$0xD408]  }
0x110: {  	p1 =	sgt.u32 s21, s20;
	v23 =	vmax.f32 v23, v33;
	v33 =	vld [tilespmem:s22+$0xD418];
	s22 =	sor.u32 s26, s25  }
0x111: {  	v38 =	vld [tilespmem:s22+$0xD428];
	v22 =	vmax.f32 v22, v35  }
0x112: {  	v35 =	vld [tilespmem:s22+$0xCFB8];
	v21 =	vmax.f32 v21, v36  }
0x113: {  	v36 =	vld [tilespmem:s22+$0xCFC8];
	v20 =	vmax.f32 v20, v37  }
0x114: {  	v37 =	vld [tilespmem:s22+$0xCFD8];
	v19 =	vmax.f32 v19, v34  }
0x115: {  	v34 =	vld [tilespmem:s22+$0xCFE8];
	v18 =	vmax.f32 v18, v33  }
0x116: {  	v33 =	vld [tilespmem:s22+$0xCFF8];
	v17 =	vmax.f32 v17, v38  }
0x117: {  	v32 =	vmax.f32 v32, v35;
	v35 =	vld [tilespmem:s22+$0xD008]  }
0x118: {  	v31 =	vmax.f32 v31, v36;
	v36 =	vld [tilespmem:s22+$0xD018]  }
0x119: {  	v30 =	vmax.f32 v30, v37;
	v37 =	vld [tilespmem:s22+$0xD028]  }
.Ltmp12:
0x11a: {  	v29 =	vmax.f32 v29, v34;
	v34 =	vld [tilespmem:s22+$0xD3B8];
	(pc) =	sbr.rel @p1 .LBB2_16-.Ltmp12, $4  }
0x11b: {  	v28 =	vmax.f32 v28, v33;
	v33 =	vld [tilespmem:s22+$0xD3C8]  }
0x11c: {  	v27 =	vmax.f32 v27, v35;
	v35 =	vld [tilespmem:s22+$0xD3D8]  }
0x11d: {  	v26 =	vmax.f32 v26, v36;
	v36 =	vld [tilespmem:s22+$0xD3E8]  }
0x11e: {  	s23 =	sadd.s32 $0x80, s23;
	s24 =	sadd.s32 $0x100, s24;
	v25 =	vmax.f32 v25, v37;
	v37 =	vld [tilespmem:s22+$0xD3F8]  }
.LBB2_17:
0x11f: {  	v38 =	vld [tilespmem:s22+$0xD408]  }
0x120: {  	v39 =	vld [tilespmem:s22+$0xD418]  }
.Ltmp13:
0x121: {  	_ = 	snop;
	(pc) =	sbr.rel .LBB2_18-.Ltmp13, $4  }
0x122: {  	_ = 	snop  }
0x123: {  	v24 =	vmax.f32 v24, v34  }
0x124: {  	v23 =	vmax.f32 v23, v33;
	v22 =	vmax.f32 v22, v35;
	v21 =	vmax.f32 v21, v36  }
0x125: {  	v20 =	vmax.f32 v20, v37;
	v19 =	vmax.f32 v19, v38;
	v18 =	vmax.f32 v18, v39  }
.LBB2_10:
0x126: {  	v32 =	vpsel p1, v32, v32  }
0x127: {  	v31 =	vpsel p1, v31, v31;
	v30 =	vpsel p1, v30, v30;
	v29 =	vpsel p1, v29, v29  }
0x128: {  	v28 =	vpsel p1, v28, v28;
	v27 =	vpsel p1, v27, v27;
	v26 =	vpsel p1, v26, v26  }
0x129: {  	v25 =	vpsel p1, v25, v25;
	v24 =	vpsel p1, v24, v24;
	v23 =	vpsel p1, v23, v23  }
0x12a: {  	v22 =	vpsel p1, v22, v22;
	v21 =	vpsel p1, v21, v21;
	v20 =	vpsel p1, v20, v20  }
0x12b: {  	v19 =	vpsel p1, v19, v19;
	v18 =	vpsel p1, v18, v18;
	v17 =	vpsel p1, v17, v17  }
.LBB2_18:
0x12c: {  	s20 =	sadd.s32 $0x2, s19  }
0x12d: {  	p1 =	sge.s32 s20, s13  }
0x12e: {  	s20 =	smul.u32 @!p1 $0x90, s20;
	_ =	sdelay $0x1  }
0x12f: {  	s20 =	sadd.s32 @!p1 s12, s20  }
0x130: {  	p2 =	slt.s32 @!p1 s20, s17  }
0x131: {  	p2 =	por !p2, p1  }
0x132: {  	s20 =	smov.u32 @p2 s17  }
0x133: {  	p2 =	sgt.s32 @!p1 s20, $0x0  }
0x134: {  	p2 =	por !p2, p1  }
0x135: {  	s22 =	sor.u32 $0x1, s19;
	s20 =	simm.s32 @p2 $0x0  }
0x136: {  	s24 =	smul.u32 $0x90, s22;
	s20 =	sshll.u32 @!p1 s20, $0x5  }
0x137: {  	s21 =	simm.s32 @!p1 $0x0;
	s23 =	simm.s32 @!p1 $0xCFB8;
	s20 =	sadd.s32 @!p1 s0, s20  }
0x138: {  	[tilespmem:s23], [sflag:$0x1] =	stream.linear.gather @!p1 [hbm4b:s20+s21], $0x9000, $0x38;
	[tilespmem:$0x1F1B8] =	vst v63  }
0x139: {  	s20 =	sadd.s32 s12, s24  }
0x13a: {  	s21 =	smov.u32 s17;
	p1 =	slt.s32 s20, s17  }
0x13b: {  	s21 =	smov.u32 @p1 s20  }
0x13c: {  	p1 =	sgt.s32 s21, $0x0  }
0x13d: {  	s21 =	simm.s32 @!p1 $0x0  }
0x13e: {  	s20 =	ssub.s32 s11, s21;
	s23 =	ssub.s32 s15, s21  }
0x13f: {  	p2 =	sgt.s32 s20, $0x0;
	p3 =	sgt.s32 s23, $0x0  }
0x140: {  	p1 =	sge.s32 s22, s13;
	s20 =	simm.s32 @!p2 $0x0;
	s23 =	simm.s32 @!p3 $0x0  }
0x141: {  	p2 =	slt.s32 s22, s13;
	s22 =	smin.u32 s20, $0x90;
	s20 =	smin.u32 s23, $0x90  }
0x142: {  	s22 =	simm.s32 @!p2 $0x0;
	s20 =	simm.s32 @!p2 $0x0  }
0x143: {  	p2 =	sle.u32 s20, s22  }
.Ltmp14:
0x144: {  	_ = 	snop;
	(pc) =	sbr.rel @p2 .LBB2_21-.Ltmp14, $4  }
0x145: {  	s24 =	simm.s32 @!p1 $0x2  }
0x146: {  	_ =	swait.ge @!p1 [sflag:s24], $0x9000  }
0x147: {  	[sflag:s24] =	ssyncset.done @!p1 $0x0  }
0x148: {  	[sflag:s24] =	ssyncadd.s32 @!p1 $0xFFFF7000  }
0x149: {  	s25 =	ssub.s32 s20, s22  }
0x14a: {  	p3 =	seq.s32 s25, $0x1  }
.Ltmp15:
0x14b: {  	_ = 	snop;
	(pc) =	sbr.rel @p3 .LBB2_20-.Ltmp15, $3  }
0x14c: {  	_ =	sdelay $0x1  }
0x14d: {  	s24 =	sshll.u32 s22, $0x7;
	s23 =	sshll.u32 s22, $0x8;
	p2 =	por $0x0, $0x0  }
0x14e: {  	s26 =	sand.u32 $0x7FFFF800, s23;
	s28 =	sand.u32 $0x380, s24;
	s25 =	sadd.s32 $0xFFFFFFFF, s25  }
0x14f: {  	s26 =	sor.u32 s28, s26  }
0x150: {  	s22 =	sadd.s32 $0x15FB8, s26;
	v33 =	vld [tilespmem:s26+$0x15FB8]  }
0x151: {  	v34 =	vld [tilespmem:s22+$0x470]  }
0x152: {  	v35 =	vld [tilespmem:s22+$0x10]  }
0x153: {  	v36 =	vld [tilespmem:s22+$0x20]  }
0x154: {  	v37 =	vld [tilespmem:s22+$0x30]  }
0x155: {  	v40 =	vld [tilespmem:s22+$0x40]  }
0x156: {  	v42 =	vld [tilespmem:s22+$0x50]  }
0x157: {  	v43 =	vld [tilespmem:s22+$0x60]  }
0x158: {  	v44 =	vld [tilespmem:s22+$0x70]  }
0x159: {  	v45 =	vld [tilespmem:s22+$0x400]  }
0x15a: {  	p3 =	seq.s32 s25, $0x1  }
.Ltmp16:
0x15b: {  	v38 =	vld [tilespmem:s22+$0x410];
	v16 =	vmax.f32 v16, v33;
	(pc) =	sbr.rel @p3 .LBB2_24-.Ltmp16, $4  }
0x15c: {  	v39 =	vld [tilespmem:s22+$0x420];
	v1 =	vmax.f32 v1, v34;
	v15 =	vmax.f32 v15, v35;
	v14 =	vmax.f32 v14, v36  }
0x15d: {  	v41 =	vld [tilespmem:s22+$0x430];
	v13 =	vmax.f32 v13, v37;
	v11 =	vmax.f32 v11, v40;
	v9 =	vmax.f32 v9, v42  }
0x15e: {  	s23 =	sadd.s32 $0x100, s23;
	s24 =	sadd.s32 $0x80, s24;
	s25 =	sadd.s32 $0xFFFFFFFF, s25;
	v33 =	vmovc v12;
	v42 =	vld [tilespmem:s22+$0x440];
	v7 =	vmax.f32 v7, v43;
	v5 =	vmax.f32 v5, v44;
	v3 =	vmax.f32 v3, v45  }
0x15f: {  	p2 =	por $0x1, $0x1;
	s26 =	sand.u32 $0x7FFFF800, s23;
	s28 =	sand.u32 $0x380, s24;
	v43 =	vld [tilespmem:s22+$0x450];
	v34 =	vmovc v10;
	v35 =	vmovc v8;
	v36 =	vmov v6;
	v37 =	vmov v4;
	v40 =	vmov v2  }
.LBB2_25:
0x160: {  	p3 =	seq.s32 s25, $0x1;
	s26 =	sor.u32 s28, s26;
	v33 =	vmax.f32 v33, v38;
	v38 =	vld [tilespmem:s22+$0x460]  }
0x161: {  	s22 =	sadd.s32 $0x15FB8, s26;
	v44 =	vld [tilespmem:s26+$0x15FB8];
	v34 =	vmax.f32 v34, v39  }
0x162: {  	v39 =	vld [tilespmem:s22+$0x470];
	v35 =	vmax.f32 v35, v41  }
0x163: {  	v41 =	vld [tilespmem:s22+$0x10];
	v36 =	vmax.f32 v36, v42  }
0x164: {  	v42 =	vld [tilespmem:s22+$0x20];
	v37 =	vmax.f32 v37, v43  }
0x165: {  	v43 =	vld [tilespmem:s22+$0x30];
	v40 =	vmax.f32 v40, v38  }
0x166: {  	v16 =	vmax.f32 v16, v44;
	v38 =	vld [tilespmem:s22+$0x40]  }
0x167: {  	v44 =	vld [tilespmem:s22+$0x50];
	v1 =	vmax.f32 v1, v39  }
0x168: {  	v15 =	vmax.f32 v15, v41;
	v41 =	vld [tilespmem:s22+$0x60]  }
0x169: {  	v14 =	vmax.f32 v14, v42;
	v42 =	vld [tilespmem:s22+$0x70]  }
0x16a: {  	v13 =	vmax.f32 v13, v43;
	v43 =	vld [tilespmem:s22+$0x400]  }
.Ltmp17:
0x16b: {  	v11 =	vmax.f32 v11, v38;
	v38 =	vld [tilespmem:s22+$0x410];
	(pc) =	sbr.rel @!p3 .LBB2_25-.Ltmp17, $4  }
0x16c: {  	v9 =	vmax.f32 v9, v44;
	v39 =	vld [tilespmem:s22+$0x420]  }
0x16d: {  	v7 =	vmax.f32 v7, v41;
	v41 =	vld [tilespmem:s22+$0x430]  }
0x16e: {  	s24 =	sadd.s32 $0x80, s24;
	s23 =	sadd.s32 $0x100, s23;
	v5 =	vmax.f32 v5, v42;
	v42 =	vld [tilespmem:s22+$0x440]  }
0x16f: {  	s25 =	sadd.s32 $0xFFFFFFFF, s25;
	s26 =	sand.u32 $0x7FFFF800, s23;
	s28 =	sand.u32 $0x380, s24;
	v3 =	vmax.f32 v3, v43;
	v43 =	vld [tilespmem:s22+$0x450]  }
.LBB2_26:
0x170: {  	s23 =	sor.u32 s28, s26;
	v44 =	vld @p2 [tilespmem:s22+$0x460]  }
0x171: {  	s31 =	sadd.s32 $0x15FB8, s23;
	v45 =	vld [tilespmem:s23+$0x15FB8]  }
0x172: {  	v46 =	vld [tilespmem:s31+$0x470]  }
0x173: {  	v47 =	vld [tilespmem:s31+$0x10]  }
0x174: {  	v48 =	vld [tilespmem:s31+$0x20]  }
0x175: {  	v49 =	vld [tilespmem:s31+$0x30]  }
0x176: {  	v50 =	vld [tilespmem:s31+$0x40]  }
0x177: {  	v51 =	vld [tilespmem:s31+$0x50]  }
0x178: {  	v52 =	vld [tilespmem:s31+$0x60]  }
0x179: {  	v53 =	vld [tilespmem:s31+$0x70]  }
0x17a: {  	v54 =	vld [tilespmem:s31+$0x400]  }
0x17b: {  	v55 =	vld [tilespmem:s31+$0x410]  }
0x17c: {  	v33 =	vmax.f32 @p2 v33, v38;
	v59 =	vld [tilespmem:s31+$0x420]  }
0x17d: {  	v34 =	vmax.f32 @p2 v34, v39;
	v12 =	vpsel p2, v33, v12;
	v35 =	vmax.f32 @p2 v35, v41;
	v60 =	vld [tilespmem:s31+$0x430]  }
0x17e: {  	v61 =	vld [tilespmem:s31+$0x440];
	v10 =	vpsel p2, v34, v10;
	v36 =	vmax.f32 @p2 v36, v42;
	v8 =	vpsel p2, v35, v8  }
0x17f: {  	v62 =	vld [tilespmem:s31+$0x450];
	v37 =	vmax.f32 @p2 v37, v43;
	v6 =	vpsel p2, v36, v6;
	v40 =	vmax.f32 @p2 v40, v44  }
0x180: {  	v63 =	vld [tilespmem:s31+$0x460];
	v4 =	vpsel p2, v37, v4;
	v16 =	vmax.f32 v16, v45;
	v2 =	vpsel p2, v40, v2  }
0x181: {  	v1 =	vmax.f32 v1, v46;
	v15 =	vmax.f32 v15, v47;
	v14 =	vmax.f32 v14, v48  }
0x182: {  	v13 =	vmax.f32 v13, v49;
	v11 =	vmax.f32 v11, v50;
	v9 =	vmax.f32 v9, v51  }
0x183: {  	v7 =	vmax.f32 v7, v52;
	v5 =	vmax.f32 v5, v53;
	v3 =	vmax.f32 v3, v54  }
0x184: {  	v12 =	vmax.f32 v12, v55;
	v10 =	vmax.f32 v10, v59;
	v8 =	vmax.f32 v8, v60  }
0x185: {  	v6 =	vmax.f32 v6, v61;
	v4 =	vmax.f32 v4, v62;
	v2 =	vmax.f32 v2, v63  }
.LBB2_21:
0x186: {  	s21 =	ssub.s32 s16, s21  }
0x187: {  	p2 =	sgt.s32 s21, $0x0  }
0x188: {  	s21 =	simm.s32 @!p2 $0x0  }
0x189: {  	s21 =	smin.u32 s21, $0x90  }
0x18a: {  	p2 =	sle.u32 @!p1 s21, s20  }
0x18b: {  	p2 =	por p1, p2  }
.Ltmp18:
0x18c: {  	_ = 	snop;
	(pc) =	sbr.rel @p2 .LBB2_22-.Ltmp18, $1  }
0x18d: {  	_ =	sdelay $0x3  }
0x18e: {  	s23 =	sshll.u32 s20, $0x7;
	s24 =	sshll.u32 s20, $0x8  }
0x18f: {  	s22 =	sand.u32 $0x7FFFF800, s24;
	s25 =	sand.u32 $0x380, s23  }
0x190: {  	s25 =	sor.u32 s25, s22  }
0x191: {  	s22 =	sadd.s32 $0x15FB8, s25;
	v35 =	vld [tilespmem:s25+$0x15FB8]  }
0x192: {  	v36 =	vld [tilespmem:s22+$0x470]  }
0x193: {  	v37 =	vld [tilespmem:s22+$0x10]  }
0x194: {  	v38 =	vld [tilespmem:s22+$0x20]  }
0x195: {  	v39 =	vld [tilespmem:s22+$0x30]  }
0x196: {  	v40 =	vld [tilespmem:s22+$0x40]  }
0x197: {  	v41 =	vld [tilespmem:s22+$0x50]  }
0x198: {  	s20 =	sadd.s32 $0x1, s20;
	v42 =	vld [tilespmem:s22+$0x60]  }
0x199: {  	p1 =	sgt.u32 s21, s20;
	v43 =	vld [tilespmem:s22+$0x70]  }
.Ltmp19:
0x19a: {  	v34 =	vld [tilespmem:s22+$0x400];
	(pc) =	sbr.rel @!p1 .LBB2_29-.Ltmp19, $4  }
0x19b: {  	v33 =	vld [tilespmem:s22+$0x410]  }
0x19c: {  	v32 =	vmax.f32 v32, v35;
	v35 =	vld [tilespmem:s22+$0x420];
	v17 =	vmax.f32 v17, v36;
	v31 =	vmax.f32 v31, v37  }
0x19d: {  	v30 =	vmax.f32 v30, v38;
	v29 =	vmax.f32 v29, v39;
	v28 =	vmax.f32 v28, v40;
	v36 =	vld [tilespmem:s22+$0x430]  }
0x19e: {  	s23 =	sadd.s32 $0x80, s23;
	s24 =	sadd.s32 $0x100, s24;
	v27 =	vmax.f32 v27, v41;
	v26 =	vmax.f32 v26, v42;
	v25 =	vmax.f32 v25, v43;
	v37 =	vld [tilespmem:s22+$0x440]  }
.LBB2_28:
0x19f: {  	s25 =	sand.u32 $0x7FFFF800, s24;
	s26 =	sand.u32 $0x380, s23;
	s20 =	sadd.s32 $0x1, s20;
	v24 =	vmax.f32 v24, v34;
	v34 =	vld [tilespmem:s22+$0x450]  }
0x1a0: {  	s25 =	sor.u32 s26, s25;
	p1 =	sgt.u32 s21, s20;
	v23 =	vmax.f32 v23, v33;
	v33 =	vld [tilespmem:s22+$0x460]  }
0x1a1: {  	s22 =	sadd.s32 $0x15FB8, s25;
	v38 =	vld [tilespmem:s25+$0x15FB8];
	v22 =	vmax.f32 v22, v35  }
0x1a2: {  	v35 =	vld [tilespmem:s22+$0x470];
	v21 =	vmax.f32 v21, v36  }
0x1a3: {  	v36 =	vld [tilespmem:s22+$0x10];
	v20 =	vmax.f32 v20, v37  }
0x1a4: {  	v37 =	vld [tilespmem:s22+$0x20];
	v19 =	vmax.f32 v19, v34  }
0x1a5: {  	v34 =	vld [tilespmem:s22+$0x30];
	v18 =	vmax.f32 v18, v33  }
0x1a6: {  	v32 =	vmax.f32 v32, v38;
	v33 =	vld [tilespmem:s22+$0x40]  }
0x1a7: {  	v38 =	vld [tilespmem:s22+$0x50];
	v17 =	vmax.f32 v17, v35  }
0x1a8: {  	v31 =	vmax.f32 v31, v36;
	v36 =	vld [tilespmem:s22+$0x60]  }
0x1a9: {  	v30 =	vmax.f32 v30, v37;
	v37 =	vld [tilespmem:s22+$0x70]  }
.Ltmp20:
0x1aa: {  	v29 =	vmax.f32 v29, v34;
	v34 =	vld [tilespmem:s22+$0x400];
	(pc) =	sbr.rel @p1 .LBB2_28-.Ltmp20, $4  }
0x1ab: {  	v28 =	vmax.f32 v28, v33;
	v33 =	vld [tilespmem:s22+$0x410]  }
0x1ac: {  	v27 =	vmax.f32 v27, v38;
	v35 =	vld [tilespmem:s22+$0x420]  }
0x1ad: {  	v26 =	vmax.f32 v26, v36;
	v36 =	vld [tilespmem:s22+$0x430]  }
0x1ae: {  	s23 =	sadd.s32 $0x80, s23;
	s24 =	sadd.s32 $0x100, s24;
	v25 =	vmax.f32 v25, v37;
	v37 =	vld [tilespmem:s22+$0x440]  }
.LBB2_29:
0x1af: {  	v38 =	vld [tilespmem:s22+$0x450]  }
0x1b0: {  	v39 =	vld [tilespmem:s22+$0x460]  }
.Ltmp21:
0x1b1: {  	_ = 	snop;
	(pc) =	sbr.rel .LBB2_30-.Ltmp21, $4  }
0x1b2: {  	_ = 	snop  }
0x1b3: {  	v24 =	vmax.f32 v24, v34  }
0x1b4: {  	v23 =	vmax.f32 v23, v33;
	v22 =	vmax.f32 v22, v35;
	v21 =	vmax.f32 v21, v36  }
0x1b5: {  	v20 =	vmax.f32 v20, v37;
	v19 =	vmax.f32 v19, v38;
	v18 =	vmax.f32 v18, v39  }
.LBB2_8:
.Ltmp22:
0x1b6: {  	(pc) =	sbr.rel .LBB2_14-.Ltmp22, $3  }
0x1b7: {  	_ =	sdelay $0x1  }
0x1b8: {  	v33 =	vmov v12  }
0x1b9: {  	v34 =	vmovc v10;
	v35 =	vmovc v8;
	v36 =	vmov v6;
	v37 =	vmov v4;
	v40 =	vmov v2  }
.LBB2_20:
.Ltmp23:
0x1ba: {  	(pc) =	sbr.rel .LBB2_26-.Ltmp23, $3  }
0x1bb: {  	_ =	sdelay $0x1  }
0x1bc: {  	v33 =	vmov v12  }
0x1bd: {  	v34 =	vmovc v10;
	v35 =	vmovc v8;
	v36 =	vmov v6;
	v37 =	vmov v4;
	v40 =	vmov v2  }
.LBB2_12:
.Ltmp24:
0x1be: {  	(pc) =	sbr.rel .LBB2_14-.Ltmp24, $3  }
0x1bf: {  	_ =	sdelay $0x1  }
0x1c0: {  	v33 =	vmov v12  }
0x1c1: {  	v34 =	vmovc v10;
	v35 =	vmovc v8;
	v36 =	vmov v6;
	v37 =	vmov v4;
	v40 =	vmov v2  }
.LBB2_24:
.Ltmp25:
0x1c2: {  	(pc) =	sbr.rel .LBB2_26-.Ltmp25, $3  }
0x1c3: {  	_ =	sdelay $0x1  }
0x1c4: {  	v33 =	vmov v12  }
0x1c5: {  	v34 =	vmovc v10;
	v35 =	vmovc v8;
	v36 =	vmov v6;
	v37 =	vmov v4;
	v40 =	vmov v2  }
.LBB2_32:
0x1c6: {  	_ =	sfence.sel $0x180000  }
0x1c7: {  	[bflag:$0x0] =	sbarrier.arrive $0xFFFF  }
0x1c8: {  	_ =	strace $0x90000047  }
0x1c9: {  	s0 =	sadd.s32 @!p0 $0x100000, s2;
	[bflag:$0x2] =	sbarrier.arrive $0xFFFF  }
0x1ca: {  	[sflag:s0] =	ssyncadd.tile.s32 @!p0 $0x1;
	_ =	shalt  }
.Lfunc_end2:
_tile_overlayer_lowered:
.L_overlay_start_2:
0x1cb: {  	(tag) =	ssettag $0x2  }
0x1cc: {  	s0 =	rddreg [dreg:$0x0];
	s2 =	stileid.u32  }
0x1cd: {  	s1 =	rddreg [dreg:$0x1];
	p0 =	sne.s32 s2, $0x0  }
0x1ce: {  	s3 =	rddreg [dreg:$0x2];
	[bflag:$0x3] =	sbarrier.arrive $0xFFFF;
	s2 =	simm.s32 @!p0 $0x1C03  }
0x1cf: {  	[timem:s3], [sflag:s2] =	dma.local @!p0 [hbm:s0], s1  }
0x1d0: {  	s0 =	simm.s32 @!p0 $0x3  }
0x1d1: {  	_ =	swait.ge @!p0 [sflag:s0], s1  }
0x1d2: {  	s1 =	ssub.s32 @!p0 $0x0, s1;
	[sflag:s0] =	ssyncset.done @!p0 $0x0  }
0x1d3: {  	[sflag:s0] =	ssyncadd.s32 @!p0 s1  }
0x1d4: {  	[bflag:$0x3] =	sbarrier.arrive $0xFFFF  }
0x1d5: {  	_ =	shalt  }

</sc_bundles>
